<compile_context>
chip_gen: v7x
topology: tpu7x:2x2x1
jax: 0.10.2.dev20260603
libtpu: 0.0.44.dev20260713+nightly
codegen_flags: <defaults>
</compile_context>

<pallas_src>
import functools

import jax
import jax.numpy as jnp
from jax import lax
from jax.experimental import pallas as pl
from jax.experimental.pallas import tpu as pltpu
from jax.experimental.pallas import tpu_sc as plsc

_TOTAL = 16384
_D = 2048
_NSEQ = 8
_BLOCK = 128
_MAXJ = 128
_NCHUNK = _MAXJ * _NSEQ
_NWORKERS = 32
_ROWS_PER_W = _TOTAL // _NWORKERS
_GROWS = 16
_STEPS = _ROWS_PER_W // _GROWS

_mesh = plsc.VectorSubcoreMesh(core_axis_name="c", subcore_axis_name="s")


@functools.partial(
    pl.kernel,
    mesh=_mesh,
    compiler_params=pltpu.CompilerParams(needs_layout_passes=False),
    out_type=jax.ShapeDtypeStruct((_TOTAL, _D), jnp.float32),
    scratch_types=[
        pltpu.VMEM((16,), jnp.int32),
        pltpu.VMEM((_NCHUNK,), jnp.int32),
        pltpu.VMEM((_GROWS, _D), jnp.float32),
        pltpu.VMEM((_GROWS, _D), jnp.float32),
        pltpu.SemaphoreType.DMA,
        pltpu.SemaphoreType.DMA,
        pltpu.SemaphoreType.DMA,
    ],
)
def _pack(cu_hbm, flat_hbm, out_hbm, cu_v, base_tab, rows0, rows1,
          gsem, ssem0, ssem1):
    wid = lax.axis_index("s") * 2 + lax.axis_index("c")
    pltpu.sync_copy(cu_hbm, cu_v)
    iota = lax.iota(jnp.int32, 16)

    def build(i, carry):
        c = i * 16 + iota
        jv = c >> 3
        sv = c & 7
        lo = plsc.load_gather(cu_v, [sv])
        hi = plsc.load_gather(cu_v, [sv + 1])
        ln = jnp.clip(hi - lo - (jv << 7), 0, _BLOCK)
        cs = jnp.cumsum(ln)
        base_tab[pl.ds(i * 16, 16)] = carry + cs - ln
        return carry + jnp.sum(ln)

    lax.fori_loop(0, _NCHUNK // 16, build, jnp.int32(0), unroll=4)

    def src_rows(it):
        obase = wid * _ROWS_PER_W + it * _GROWS
        o = obase + iota
        res = jnp.zeros((16,), jnp.int32)
        for step in (512, 256, 128, 64, 32, 16, 8, 4, 2, 1):
            cand = res + step
            v = plsc.load_gather(base_tab, [cand])
            res = jnp.where(v <= o, cand, res)
        b = plsc.load_gather(base_tab, [res])
        src = plsc.load_gather(cu_v, [res & 7]) + ((res >> 3) << 7) + (o - b)
        return src, obase

    def half(it, rows, ssem, is_first):
        @pl.when(jnp.logical_not(is_first))
        def _():
            pltpu.make_async_copy(
                rows, out_hbm.at[pl.ds(0, _GROWS)], ssem).wait()

        src, obase = src_rows(it)
        pltpu.async_copy(flat_hbm.at[src], rows, gsem).wait()
        pltpu.async_copy(rows, out_hbm.at[pl.ds(obase, _GROWS)], ssem)

    def body(i, carry):
        half(2 * i, rows0, ssem0, i == 0)
        half(2 * i + 1, rows1, ssem1, i == 0)
        return carry

    lax.fori_loop(0, _STEPS // 2, body, jnp.int32(0))
    pltpu.make_async_copy(rows0, out_hbm.at[pl.ds(0, _GROWS)], ssem0).wait()
    pltpu.make_async_copy(rows1, out_hbm.at[pl.ds(0, _GROWS)], ssem1).wait()


def kernel(flat, cu_seqlens):
    cu16 = jnp.zeros((16,), jnp.int32).at[: cu_seqlens.shape[0]].set(
        cu_seqlens.astype(jnp.int32))
    return _pack(cu16, flat)

# --- scband reference (transcript-rebuilt; emitter-appended) ---
"""Pipeline reference for scband-block-wise-sequence-interleave-packer-62689342652776 (READ-ONLY COPY).

The authoritative reference and input builder live on the scoring server;
editing this copy changes nothing except your own understanding.
"""

import jax, jax.numpy as jnp
import numpy as np

B = 8
MAX_SEQLEN = 4096
TOTAL = 16384  # batch * max_seqlen / 2
D = 2048
BLOCK = 128


def setup_inputs(seed: int = 0) -> dict:
    key = jax.random.key(seed)
    k1, k2 = jax.random.split(key)
    flat = jax.random.normal(k1, (TOTAL, D), dtype=jnp.float32)
    # cu_seqlens: sorted cut points, first=0, last=TOTAL  -> B ragged sequences
    cuts = jnp.sort(jax.random.randint(k2, (B - 1,), 1, TOTAL)).astype(jnp.int32)
    cu_seqlens = jnp.concatenate([
        jnp.array([0], dtype=jnp.int32),
        cuts,
        jnp.array([TOTAL], dtype=jnp.int32),
    ])
    return {"flat": flat, "cu_seqlens": cu_seqlens}


def reference(flat, cu_seqlens):
    """Block-wise sequence interleave packing.

    Each ragged sequence is split into contiguous blocks of size BLOCK.
    The packed output interleaves blocks across sequences:
    [seq0.block0, seq1.block0, ..., seqB.block0, seq0.block1, seq1.block1, ...],
    preserving token order within each block (stable reordering).
    This mirrors generate_block_ids/generate_seq_ids driven packing in the
    original module: tokens are keyed by (block_id, seq_id, pos_in_block)
    and gathered into the packed layout.
    """
    total, d = flat.shape
    seq_lens = jnp.diff(cu_seqlens)
    b = seq_lens.shape[0]
    # seq_ids[i] = which sequence token i belongs to (like generate_seq_ids)
    seq_ids = jnp.repeat(jnp.arange(b, dtype=jnp.int32), seq_lens,
                         total_repeat_length=total)
    # position within its own sequence
    pos_in_seq = jnp.arange(total, dtype=jnp.int32) - jnp.take(cu_seqlens[:-1], seq_ids)
    # block id within sequence (like generate_block_ids with uniform block_sizes)
    block_ids = pos_in_seq // BLOCK
    # sort key: primary = block_id, secondary = seq_id, tertiary = original index
    # (stability enforced by folding the original index into the key)
    keys = (block_ids * b + seq_ids) * total + jnp.arange(total, dtype=jnp.int32)
    perm = jnp.argsort(keys)
    packed = jnp.take(flat, perm, axis=0)
    return packed


if False:  # reference __main__ guard neutralized (emitter)
    inp = setup_inputs()
    out = reference(**inp)
    print(out.shape, out.dtype)

if __name__ == "__main__":
    import jax
    _d = setup_inputs()
    print(jax.jit(kernel)(*tuple(_d.values())))

</pallas_src>

<mosaic_0001>
#map = affine_map<(d0, d1) -> (0)>
#map1 = affine_map<(d0, d1) -> (0, 0)>
module attributes {stable_mosaic.version = 14 : i64} {
  func.func @_pack(%arg0: i32, %arg1: i32, %arg2: memref<16xi32, #tpu.memory_space<hbm>>, %arg3: memref<16384x2048xf32, #tpu.memory_space<hbm>>, %arg4: memref<16384x2048xf32, #tpu.memory_space<hbm>>, %arg5: memref<16xi32, #tpu.memory_space<vmem>>, %arg6: memref<1024xi32, #tpu.memory_space<vmem>>, %arg7: memref<16x2048xf32, #tpu.memory_space<vmem>>, %arg8: memref<16x2048xf32, #tpu.memory_space<vmem>>, %arg9: memref<!tpu.dma_semaphore, #tpu.memory_space<semaphore_mem>>, %arg10: memref<!tpu.dma_semaphore, #tpu.memory_space<semaphore_mem>>, %arg11: memref<!tpu.dma_semaphore, #tpu.memory_space<semaphore_mem>>) attributes {dimension_semantics = [#tpu.dimension_semantics<core_parallel>, #tpu.dimension_semantics<subcore_parallel>], iteration_bounds = array<i64: 2, 16>, scalar_prefetch = 0 : i64, scratch_operands = 7 : i64, tpu.core_type = #tpu.core_type<sc_vector_subcore>, window_params = [{transform_indices = #map}, {transform_indices = #map1}, {transform_indices = #map1}]} {
    %mul3A = arith.constant 2 : i32
    %mul3A_0 = arith.muli %arg1, %mul3A : i32
    %add3A = arith.addi %mul3A_0, %arg0 : i32
    "tpu.region"() ({
      %run_scoped3A = tpu.sem_alloc : memref<!tpu.dma_semaphore, #tpu.memory_space<semaphore_mem>>
      tpu.enqueue_dma source(%arg2 : memref<16xi32, #tpu.memory_space<hbm>>) target(%arg5 : memref<16xi32, #tpu.memory_space<vmem>>) target_semaphore(%run_scoped3A : memref<!tpu.dma_semaphore, #tpu.memory_space<semaphore_mem>>)
      tpu.wait_dma2 semaphore(%run_scoped3A : memref<!tpu.dma_semaphore, #tpu.memory_space<semaphore_mem>>) src(%arg2 : memref<16xi32, #tpu.memory_space<hbm>>) dst(%arg5 : memref<16xi32, #tpu.memory_space<vmem>>)
      tpu.yield
    }) : () -> ()
    %iota3A = tpu.iota {dimensions = array<i32: 0>} : vector<16xi32>
    %scan3A = arith.constant 0 : i32
    %scan3A_1 = arith.constant 0 : i32
    %scan3A_2 = arith.constant 64 : i32
    %scan3A_3 = arith.addi %scan3A_1, %scan3A_2 : i32
    %scan3A_4 = arith.constant 4 : i32
    %scan3A_5 = scf.for %scan3A_24 = %scan3A_1 to %scan3A_3 step %scan3A_4 iter_args(%scan3A_25 = %scan3A) -> (i32)  : i32 {
      %mul3A_26 = arith.constant 16 : i32
      %mul3A_27 = arith.muli %scan3A_24, %mul3A_26 : i32
      %add3A_28 = vector.broadcast %mul3A_27 : i32 to vector<16xi32>
      %add3A_29 = arith.addi %add3A_28, %iota3A : vector<16xi32>
      %shift_right_arithmetic3A = arith.constant 3 : i32
      %shift_right_arithmetic3A_30 = vector.broadcast %shift_right_arithmetic3A : i32 to vector<16xi32>
      %shift_right_arithmetic3A_31 = arith.shrsi %add3A_29, %shift_right_arithmetic3A_30 : vector<16xi32>
      %and3A = arith.constant 7 : i32
      %and3A_32 = vector.broadcast %and3A : i32 to vector<16xi32>
      %and3A_33 = arith.andi %add3A_29, %and3A_32 : vector<16xi32>
      %gather3A = tpu.vector_load_idx %arg5[%and3A_33] : memref<16xi32, #tpu.memory_space<vmem>>[vector<16xi32>], vector<16xi32>,
      %add3A_34 = arith.constant 1 : i32
      %add3A_35 = vector.broadcast %add3A_34 : i32 to vector<16xi32>
      %add3A_36 = arith.addi %and3A_33, %add3A_35 : vector<16xi32>
      %gather3A_37 = tpu.vector_load_idx %arg5[%add3A_36] : memref<16xi32, #tpu.memory_space<vmem>>[vector<16xi32>], vector<16xi32>,
      %sub3A = arith.subi %gather3A_37, %gather3A : vector<16xi32>
      %shift_left3A = arith.constant 7 : i32
      %shift_left3A_38 = vector.broadcast %shift_left3A : i32 to vector<16xi32>
      %shift_left3A_39 = arith.shli %shift_right_arithmetic3A_31, %shift_left3A_38 : vector<16xi32>
      %sub3A_40 = arith.subi %sub3A, %shift_left3A_39 : vector<16xi32>
      %jit3A = arith.constant 0 : i32
      %jit3A_41 = arith.constant 128 : i32
      %max3A = vector.broadcast %jit3A : i32 to vector<16xi32>
      %max3A_42 = arith.maxsi %max3A, %sub3A_40 : vector<16xi32>
      %min3A = vector.broadcast %jit3A_41 : i32 to vector<16xi32>
      %min3A_43 = arith.minsi %min3A, %max3A_42 : vector<16xi32>
      %cumsum3A = arith.constant true
      %cumsum3A_44 = vector.broadcast %cumsum3A : i1 to vector<16xi1>
      %cumsum3A_45 = tpu.scan <sum>, %min3A_43 masked %cumsum3A_44 : vector<16xi32>, vector<16xi1> -> vector<16xi32>
      %add3A_46 = vector.broadcast %scan3A_25 : i32 to vector<16xi32>
      %add3A_47 = arith.addi %add3A_46, %cumsum3A_45 : vector<16xi32>
      %sub3A_48 = arith.subi %add3A_47, %min3A_43 : vector<16xi32>
      %mul3A_49 = arith.constant 16 : i32
      %mul3A_50 = arith.muli %scan3A_24, %mul3A_49 : i32
      %swap3A = arith.index_cast %mul3A_50 : i32 to index
      %swap3A_51 = tpu.vector_load %arg6[%swap3A] {strides = array<i32>} : memref<1024xi32, #tpu.memory_space<vmem>>, vector<16xi32>,
      tpu.vector_store %arg6[%swap3A], %sub3A_48 {strides = array<i32>} : memref<1024xi32, #tpu.memory_space<vmem>>, vector<16xi32>,
      %reduce_sum3A = arith.constant true
      %reduce_sum3A_52 = vector.broadcast %reduce_sum3A : i1 to vector<16xi1>
      %reduce_sum3A_53 = tpu.scan <sum>, %min3A_43 masked %reduce_sum3A_52 : vector<16xi32>, vector<16xi1> -> vector<16xi32>
      %reduce_sum3A_54 = vector.extract %reduce_sum3A_53[15] : i32 from vector<16xi32>
      %add3A_55 = arith.addi %scan3A_25, %reduce_sum3A_54 : i32
      %scan3A_56 = arith.constant 1 : i32
      %scan3A_57 = arith.addi %scan3A_24, %scan3A_56 : i32
      %mul3A_58 = arith.constant 16 : i32
      %mul3A_59 = arith.muli %scan3A_57, %mul3A_58 : i32
      %add3A_60 = vector.broadcast %mul3A_59 : i32 to vector<16xi32>
      %add3A_61 = arith.addi %add3A_60, %iota3A : vector<16xi32>
      %shift_right_arithmetic3A_62 = arith.constant 3 : i32
      %shift_right_arithmetic3A_63 = vector.broadcast %shift_right_arithmetic3A_62 : i32 to vector<16xi32>
      %shift_right_arithmetic3A_64 = arith.shrsi %add3A_61, %shift_right_arithmetic3A_63 : vector<16xi32>
      %and3A_65 = arith.constant 7 : i32
      %and3A_66 = vector.broadcast %and3A_65 : i32 to vector<16xi32>
      %and3A_67 = arith.andi %add3A_61, %and3A_66 : vector<16xi32>
      %gather3A_68 = tpu.vector_load_idx %arg5[%and3A_67] : memref<16xi32, #tpu.memory_space<vmem>>[vector<16xi32>], vector<16xi32>,
      %add3A_69 = arith.constant 1 : i32
      %add3A_70 = vector.broadcast %add3A_69 : i32 to vector<16xi32>
      %add3A_71 = arith.addi %and3A_67, %add3A_70 : vector<16xi32>
      %gather3A_72 = tpu.vector_load_idx %arg5[%add3A_71] : memref<16xi32, #tpu.memory_space<vmem>>[vector<16xi32>], vector<16xi32>,
      %sub3A_73 = arith.subi %gather3A_72, %gather3A_68 : vector<16xi32>
      %shift_left3A_74 = arith.constant 7 : i32
      %shift_left3A_75 = vector.broadcast %shift_left3A_74 : i32 to vector<16xi32>
      %shift_left3A_76 = arith.shli %shift_right_arithmetic3A_64, %shift_left3A_75 : vector<16xi32>
      %sub3A_77 = arith.subi %sub3A_73, %shift_left3A_76 : vector<16xi32>
      %jit3A_78 = arith.constant 0 : i32
      %jit3A_79 = arith.constant 128 : i32
      %max3A_80 = vector.broadcast %jit3A_78 : i32 to vector<16xi32>
      %max3A_81 = arith.maxsi %max3A_80, %sub3A_77 : vector<16xi32>
      %min3A_82 = vector.broadcast %jit3A_79 : i32 to vector<16xi32>
      %min3A_83 = arith.minsi %min3A_82, %max3A_81 : vector<16xi32>
      %cumsum3A_84 = arith.constant true
      %cumsum3A_85 = vector.broadcast %cumsum3A_84 : i1 to vector<16xi1>
      %cumsum3A_86 = tpu.scan <sum>, %min3A_83 masked %cumsum3A_85 : vector<16xi32>, vector<16xi1> -> vector<16xi32>
      %add3A_87 = vector.broadcast %add3A_55 : i32 to vector<16xi32>
      %add3A_88 = arith.addi %add3A_87, %cumsum3A_86 : vector<16xi32>
      %sub3A_89 = arith.subi %add3A_88, %min3A_83 : vector<16xi32>
      %mul3A_90 = arith.constant 16 : i32
      %mul3A_91 = arith.muli %scan3A_57, %mul3A_90 : i32
      %swap3A_92 = arith.index_cast %mul3A_91 : i32 to index
      %swap3A_93 = tpu.vector_load %arg6[%swap3A_92] {strides = array<i32>} : memref<1024xi32, #tpu.memory_space<vmem>>, vector<16xi32>,
      tpu.vector_store %arg6[%swap3A_92], %sub3A_89 {strides = array<i32>} : memref<1024xi32, #tpu.memory_space<vmem>>, vector<16xi32>,
      %reduce_sum3A_94 = arith.constant true
      %reduce_sum3A_95 = vector.broadcast %reduce_sum3A_94 : i1 to vector<16xi1>
      %reduce_sum3A_96 = tpu.scan <sum>, %min3A_83 masked %reduce_sum3A_95 : vector<16xi32>, vector<16xi1> -> vector<16xi32>
      %reduce_sum3A_97 = vector.extract %reduce_sum3A_96[15] : i32 from vector<16xi32>
      %add3A_98 = arith.addi %add3A_55, %reduce_sum3A_97 : i32
      %scan3A_99 = arith.constant 2 : i32
      %scan3A_100 = arith.addi %scan3A_24, %scan3A_99 : i32
      %mul3A_101 = arith.constant 16 : i32
      %mul3A_102 = arith.muli %scan3A_100, %mul3A_101 : i32
      %add3A_103 = vector.broadcast %mul3A_102 : i32 to vector<16xi32>
      %add3A_104 = arith.addi %add3A_103, %iota3A : vector<16xi32>
      %shift_right_arithmetic3A_105 = arith.constant 3 : i32
      %shift_right_arithmetic3A_106 = vector.broadcast %shift_right_arithmetic3A_105 : i32 to vector<16xi32>
      %shift_right_arithmetic3A_107 = arith.shrsi %add3A_104, %shift_right_arithmetic3A_106 : vector<16xi32>
      %and3A_108 = arith.constant 7 : i32
      %and3A_109 = vector.broadcast %and3A_108 : i32 to vector<16xi32>
      %and3A_110 = arith.andi %add3A_104, %and3A_109 : vector<16xi32>
      %gather3A_111 = tpu.vector_load_idx %arg5[%and3A_110] : memref<16xi32, #tpu.memory_space<vmem>>[vector<16xi32>], vector<16xi32>,
      %add3A_112 = arith.constant 1 : i32
      %add3A_113 = vector.broadcast %add3A_112 : i32 to vector<16xi32>
      %add3A_114 = arith.addi %and3A_110, %add3A_113 : vector<16xi32>
      %gather3A_115 = tpu.vector_load_idx %arg5[%add3A_114] : memref<16xi32, #tpu.memory_space<vmem>>[vector<16xi32>], vector<16xi32>,
      %sub3A_116 = arith.subi %gather3A_115, %gather3A_111 : vector<16xi32>
      %shift_left3A_117 = arith.constant 7 : i32
      %shift_left3A_118 = vector.broadcast %shift_left3A_117 : i32 to vector<16xi32>
      %shift_left3A_119 = arith.shli %shift_right_arithmetic3A_107, %shift_left3A_118 : vector<16xi32>
      %sub3A_120 = arith.subi %sub3A_116, %shift_left3A_119 : vector<16xi32>
      %jit3A_121 = arith.constant 0 : i32
      %jit3A_122 = arith.constant 128 : i32
      %max3A_123 = vector.broadcast %jit3A_121 : i32 to vector<16xi32>
      %max3A_124 = arith.maxsi %max3A_123, %sub3A_120 : vector<16xi32>
      %min3A_125 = vector.broadcast %jit3A_122 : i32 to vector<16xi32>
      %min3A_126 = arith.minsi %min3A_125, %max3A_124 : vector<16xi32>
      %cumsum3A_127 = arith.constant true
      %cumsum3A_128 = vector.broadcast %cumsum3A_127 : i1 to vector<16xi1>
      %cumsum3A_129 = tpu.scan <sum>, %min3A_126 masked %cumsum3A_128 : vector<16xi32>, vector<16xi1> -> vector<16xi32>
      %add3A_130 = vector.broadcast %add3A_98 : i32 to vector<16xi32>
      %add3A_131 = arith.addi %add3A_130, %cumsum3A_129 : vector<16xi32>
      %sub3A_132 = arith.subi %add3A_131, %min3A_126 : vector<16xi32>
      %mul3A_133 = arith.constant 16 : i32
      %mul3A_134 = arith.muli %scan3A_100, %mul3A_133 : i32
      %swap3A_135 = arith.index_cast %mul3A_134 : i32 to index
      %swap3A_136 = tpu.vector_load %arg6[%swap3A_135] {strides = array<i32>} : memref<1024xi32, #tpu.memory_space<vmem>>, vector<16xi32>,
      tpu.vector_store %arg6[%swap3A_135], %sub3A_132 {strides = array<i32>} : memref<1024xi32, #tpu.memory_space<vmem>>, vector<16xi32>,
      %reduce_sum3A_137 = arith.constant true
      %reduce_sum3A_138 = vector.broadcast %reduce_sum3A_137 : i1 to vector<16xi1>
      %reduce_sum3A_139 = tpu.scan <sum>, %min3A_126 masked %reduce_sum3A_138 : vector<16xi32>, vector<16xi1> -> vector<16xi32>
      %reduce_sum3A_140 = vector.extract %reduce_sum3A_139[15] : i32 from vector<16xi32>
      %add3A_141 = arith.addi %add3A_98, %reduce_sum3A_140 : i32
      %scan3A_142 = arith.constant 3 : i32
      %scan3A_143 = arith.addi %scan3A_24, %scan3A_142 : i32
      %mul3A_144 = arith.constant 16 : i32
      %mul3A_145 = arith.muli %scan3A_143, %mul3A_144 : i32
      %add3A_146 = vector.broadcast %mul3A_145 : i32 to vector<16xi32>
      %add3A_147 = arith.addi %add3A_146, %iota3A : vector<16xi32>
      %shift_right_arithmetic3A_148 = arith.constant 3 : i32
      %shift_right_arithmetic3A_149 = vector.broadcast %shift_right_arithmetic3A_148 : i32 to vector<16xi32>
      %shift_right_arithmetic3A_150 = arith.shrsi %add3A_147, %shift_right_arithmetic3A_149 : vector<16xi32>
      %and3A_151 = arith.constant 7 : i32
      %and3A_152 = vector.broadcast %and3A_151 : i32 to vector<16xi32>
      %and3A_153 = arith.andi %add3A_147, %and3A_152 : vector<16xi32>
      %gather3A_154 = tpu.vector_load_idx %arg5[%and3A_153] : memref<16xi32, #tpu.memory_space<vmem>>[vector<16xi32>], vector<16xi32>,
      %add3A_155 = arith.constant 1 : i32
      %add3A_156 = vector.broadcast %add3A_155 : i32 to vector<16xi32>
      %add3A_157 = arith.addi %and3A_153, %add3A_156 : vector<16xi32>
      %gather3A_158 = tpu.vector_load_idx %arg5[%add3A_157] : memref<16xi32, #tpu.memory_space<vmem>>[vector<16xi32>], vector<16xi32>,
      %sub3A_159 = arith.subi %gather3A_158, %gather3A_154 : vector<16xi32>
      %shift_left3A_160 = arith.constant 7 : i32
      %shift_left3A_161 = vector.broadcast %shift_left3A_160 : i32 to vector<16xi32>
      %shift_left3A_162 = arith.shli %shift_right_arithmetic3A_150, %shift_left3A_161 : vector<16xi32>
      %sub3A_163 = arith.subi %sub3A_159, %shift_left3A_162 : vector<16xi32>
      %jit3A_164 = arith.constant 0 : i32
      %jit3A_165 = arith.constant 128 : i32
      %max3A_166 = vector.broadcast %jit3A_164 : i32 to vector<16xi32>
      %max3A_167 = arith.maxsi %max3A_166, %sub3A_163 : vector<16xi32>
      %min3A_168 = vector.broadcast %jit3A_165 : i32 to vector<16xi32>
      %min3A_169 = arith.minsi %min3A_168, %max3A_167 : vector<16xi32>
      %cumsum3A_170 = arith.constant true
      %cumsum3A_171 = vector.broadcast %cumsum3A_170 : i1 to vector<16xi1>
      %cumsum3A_172 = tpu.scan <sum>, %min3A_169 masked %cumsum3A_171 : vector<16xi32>, vector<16xi1> -> vector<16xi32>
      %add3A_173 = vector.broadcast %add3A_141 : i32 to vector<16xi32>
      %add3A_174 = arith.addi %add3A_173, %cumsum3A_172 : vector<16xi32>
      %sub3A_175 = arith.subi %add3A_174, %min3A_169 : vector<16xi32>
      %mul3A_176 = arith.constant 16 : i32
      %mul3A_177 = arith.muli %scan3A_143, %mul3A_176 : i32
      %swap3A_178 = arith.index_cast %mul3A_177 : i32 to index
      %swap3A_179 = tpu.vector_load %arg6[%swap3A_178] {strides = array<i32>} : memref<1024xi32, #tpu.memory_space<vmem>>, vector<16xi32>,
      tpu.vector_store %arg6[%swap3A_178], %sub3A_175 {strides = array<i32>} : memref<1024xi32, #tpu.memory_space<vmem>>, vector<16xi32>,
      %reduce_sum3A_180 = arith.constant true
      %reduce_sum3A_181 = vector.broadcast %reduce_sum3A_180 : i1 to vector<16xi1>
      %reduce_sum3A_182 = tpu.scan <sum>, %min3A_169 masked %reduce_sum3A_181 : vector<16xi32>, vector<16xi1> -> vector<16xi32>
      %reduce_sum3A_183 = vector.extract %reduce_sum3A_182[15] : i32 from vector<16xi32>
      %add3A_184 = arith.addi %add3A_141, %reduce_sum3A_183 : i32
      scf.yield %add3A_184 : i32
    }
    %scan3A_6 = arith.constant 64 : i32
    %scan3A_7 = arith.constant 0 : i32
    %scan3A_8 = arith.constant 0 : i32
    %scan3A_9 = arith.constant 16 : i32
    %scan3A_10 = arith.addi %scan3A_8, %scan3A_9 : i32
    %scan3A_11 = arith.constant 1 : i32
    scf.for %scan3A_24 = %scan3A_8 to %scan3A_10 step %scan3A_11  : i32 {
      %mul3A_25 = arith.constant 2 : i32
      %mul3A_26 = arith.muli %mul3A_25, %scan3A_24 : i32
      %eq3A = arith.constant 0 : i32
      %eq3A_27 = arith.cmpi eq, %scan3A_24, %eq3A : i32
      %not3A = arith.constant true
      %not3A_28 = arith.xori %eq3A_27, %not3A : i1
      %convert_element_type3A = arith.extui %not3A_28 : i1 to i32
      %cond3A = arith.constant 0 : i32
      %cond3A_29 = arith.cmpi ne, %convert_element_type3A, %cond3A : i32
      scf.if %cond3A_29 {
        %dma_wait3A_218 = arith.constant 0 : i32
        %dma_wait3A_219 = arith.constant 0 : i32
        %dma_wait3A_220 = tpu.memref_slice %arg4[%dma_wait3A_218, %dma_wait3A_219] : memref<16384x2048xf32, #tpu.memory_space<hbm>> -> memref<16x2048xf32, #tpu.memory_space<hbm>>
        %dma_wait3A_221 = arith.constant 0 : i32
        %dma_wait3A_222 = arith.constant 0 : i32
        %dma_wait3A_223 = tpu.memref_slice %arg4[%dma_wait3A_221, %dma_wait3A_222] : memref<16384x2048xf32, #tpu.memory_space<hbm>> -> memref<16x2048xf32, #tpu.memory_space<hbm>>
        tpu.wait_dma2 semaphore(%arg10 : memref<!tpu.dma_semaphore, #tpu.memory_space<semaphore_mem>>) src(%arg7 : memref<16x2048xf32, #tpu.memory_space<vmem>>) dst(%dma_wait3A_223 : memref<16x2048xf32, #tpu.memory_space<hbm>>)
      } else {
      }
      %mul3A_30 = arith.constant 512 : i32
      %mul3A_31 = arith.muli %add3A, %mul3A_30 : i32
      %mul3A_32 = arith.constant 16 : i32
      %mul3A_33 = arith.muli %mul3A_26, %mul3A_32 : i32
      %add3A_34 = arith.addi %mul3A_31, %mul3A_33 : i32
      %add3A_35 = vector.broadcast %add3A_34 : i32 to vector<16xi32>
      %add3A_36 = arith.addi %add3A_35, %iota3A : vector<16xi32>
      %broadcast_in_dim3A = arith.constant 0 : i32
      %broadcast_in_dim3A_37 = vector.broadcast %broadcast_in_dim3A : i32 to vector<16xi32>
      %add3A_38 = arith.constant 512 : i32
      %add3A_39 = vector.broadcast %add3A_38 : i32 to vector<16xi32>
      %add3A_40 = arith.addi %broadcast_in_dim3A_37, %add3A_39 : vector<16xi32>
      %gather3A = tpu.vector_load_idx %arg6[%add3A_40] : memref<1024xi32, #tpu.memory_space<vmem>>[vector<16xi32>], vector<16xi32>,
      %le3A = arith.cmpi sle, %gather3A, %add3A_36 : vector<16xi32>
      %select_n3A = arith.select %le3A, %add3A_40, %broadcast_in_dim3A_37 : vector<16xi1>, vector<16xi32>
      %add3A_41 = arith.constant 256 : i32
      %add3A_42 = vector.broadcast %add3A_41 : i32 to vector<16xi32>
      %add3A_43 = arith.addi %select_n3A, %add3A_42 : vector<16xi32>
      %gather3A_44 = tpu.vector_load_idx %arg6[%add3A_43] : memref<1024xi32, #tpu.memory_space<vmem>>[vector<16xi32>], vector<16xi32>,
      %le3A_45 = arith.cmpi sle, %gather3A_44, %add3A_36 : vector<16xi32>
      %select_n3A_46 = arith.select %le3A_45, %add3A_43, %select_n3A : vector<16xi1>, vector<16xi32>
      %add3A_47 = arith.constant 128 : i32
      %add3A_48 = vector.broadcast %add3A_47 : i32 to vector<16xi32>
      %add3A_49 = arith.addi %select_n3A_46, %add3A_48 : vector<16xi32>
      %gather3A_50 = tpu.vector_load_idx %arg6[%add3A_49] : memref<1024xi32, #tpu.memory_space<vmem>>[vector<16xi32>], vector<16xi32>,
      %le3A_51 = arith.cmpi sle, %gather3A_50, %add3A_36 : vector<16xi32>
      %select_n3A_52 = arith.select %le3A_51, %add3A_49, %select_n3A_46 : vector<16xi1>, vector<16xi32>
      %add3A_53 = arith.constant 64 : i32
      %add3A_54 = vector.broadcast %add3A_53 : i32 to vector<16xi32>
      %add3A_55 = arith.addi %select_n3A_52, %add3A_54 : vector<16xi32>
      %gather3A_56 = tpu.vector_load_idx %arg6[%add3A_55] : memref<1024xi32, #tpu.memory_space<vmem>>[vector<16xi32>], vector<16xi32>,
      %le3A_57 = arith.cmpi sle, %gather3A_56, %add3A_36 : vector<16xi32>
      %select_n3A_58 = arith.select %le3A_57, %add3A_55, %select_n3A_52 : vector<16xi1>, vector<16xi32>
      %add3A_59 = arith.constant 32 : i32
      %add3A_60 = vector.broadcast %add3A_59 : i32 to vector<16xi32>
      %add3A_61 = arith.addi %select_n3A_58, %add3A_60 : vector<16xi32>
      %gather3A_62 = tpu.vector_load_idx %arg6[%add3A_61] : memref<1024xi32, #tpu.memory_space<vmem>>[vector<16xi32>], vector<16xi32>,
      %le3A_63 = arith.cmpi sle, %gather3A_62, %add3A_36 : vector<16xi32>
      %select_n3A_64 = arith.select %le3A_63, %add3A_61, %select_n3A_58 : vector<16xi1>, vector<16xi32>
      %add3A_65 = arith.constant 16 : i32
      %add3A_66 = vector.broadcast %add3A_65 : i32 to vector<16xi32>
      %add3A_67 = arith.addi %select_n3A_64, %add3A_66 : vector<16xi32>
      %gather3A_68 = tpu.vector_load_idx %arg6[%add3A_67] : memref<1024xi32, #tpu.memory_space<vmem>>[vector<16xi32>], vector<16xi32>,
      %le3A_69 = arith.cmpi sle, %gather3A_68, %add3A_36 : vector<16xi32>
      %select_n3A_70 = arith.select %le3A_69, %add3A_67, %select_n3A_64 : vector<16xi1>, vector<16xi32>
      %add3A_71 = arith.constant 8 : i32
      %add3A_72 = vector.broadcast %add3A_71 : i32 to vector<16xi32>
      %add3A_73 = arith.addi %select_n3A_70, %add3A_72 : vector<16xi32>
      %gather3A_74 = tpu.vector_load_idx %arg6[%add3A_73] : memref<1024xi32, #tpu.memory_space<vmem>>[vector<16xi32>], vector<16xi32>,
      %le3A_75 = arith.cmpi sle, %gather3A_74, %add3A_36 : vector<16xi32>
      %select_n3A_76 = arith.select %le3A_75, %add3A_73, %select_n3A_70 : vector<16xi1>, vector<16xi32>
      %add3A_77 = arith.constant 4 : i32
      %add3A_78 = vector.broadcast %add3A_77 : i32 to vector<16xi32>
      %add3A_79 = arith.addi %select_n3A_76, %add3A_78 : vector<16xi32>
      %gather3A_80 = tpu.vector_load_idx %arg6[%add3A_79] : memref<1024xi32, #tpu.memory_space<vmem>>[vector<16xi32>], vector<16xi32>,
      %le3A_81 = arith.cmpi sle, %gather3A_80, %add3A_36 : vector<16xi32>
      %select_n3A_82 = arith.select %le3A_81, %add3A_79, %select_n3A_76 : vector<16xi1>, vector<16xi32>
      %add3A_83 = arith.constant 2 : i32
      %add3A_84 = vector.broadcast %add3A_83 : i32 to vector<16xi32>
      %add3A_85 = arith.addi %select_n3A_82, %add3A_84 : vector<16xi32>
      %gather3A_86 = tpu.vector_load_idx %arg6[%add3A_85] : memref<1024xi32, #tpu.memory_space<vmem>>[vector<16xi32>], vector<16xi32>,
      %le3A_87 = arith.cmpi sle, %gather3A_86, %add3A_36 : vector<16xi32>
      %select_n3A_88 = arith.select %le3A_87, %add3A_85, %select_n3A_82 : vector<16xi1>, vector<16xi32>
      %add3A_89 = arith.constant 1 : i32
      %add3A_90 = vector.broadcast %add3A_89 : i32 to vector<16xi32>
      %add3A_91 = arith.addi %select_n3A_88, %add3A_90 : vector<16xi32>
      %gather3A_92 = tpu.vector_load_idx %arg6[%add3A_91] : memref<1024xi32, #tpu.memory_space<vmem>>[vector<16xi32>], vector<16xi32>,
      %le3A_93 = arith.cmpi sle, %gather3A_92, %add3A_36 : vector<16xi32>
      %select_n3A_94 = arith.select %le3A_93, %add3A_91, %select_n3A_88 : vector<16xi1>, vector<16xi32>
      %gather3A_95 = tpu.vector_load_idx %arg6[%select_n3A_94] : memref<1024xi32, #tpu.memory_space<vmem>>[vector<16xi32>], vector<16xi32>,
      %and3A = arith.constant 7 : i32
      %and3A_96 = vector.broadcast %and3A : i32 to vector<16xi32>
      %and3A_97 = arith.andi %select_n3A_94, %and3A_96 : vector<16xi32>
      %gather3A_98 = tpu.vector_load_idx %arg5[%and3A_97] : memref<16xi32, #tpu.memory_space<vmem>>[vector<16xi32>], vector<16xi32>,
      %shift_right_arithmetic3A = arith.constant 3 : i32
      %shift_right_arithmetic3A_99 = vector.broadcast %shift_right_arithmetic3A : i32 to vector<16xi32>
      %shift_right_arithmetic3A_100 = arith.shrsi %select_n3A_94, %shift_right_arithmetic3A_99 : vector<16xi32>
      %shift_left3A = arith.constant 7 : i32
      %shift_left3A_101 = vector.broadcast %shift_left3A : i32 to vector<16xi32>
      %shift_left3A_102 = arith.shli %shift_right_arithmetic3A_100, %shift_left3A_101 : vector<16xi32>
      %add3A_103 = arith.addi %gather3A_98, %shift_left3A_102 : vector<16xi32>
      %sub3A = arith.subi %add3A_36, %gather3A_95 : vector<16xi32>
      %add3A_104 = arith.addi %add3A_103, %sub3A : vector<16xi32>
      %dma_start3A = arith.constant 0 : i32
      %dma_start3A_105 = arith.constant 0 : i32
      %dma_start3A_106 = tpu.memref_slice %arg3[%dma_start3A, %dma_start3A_105] : memref<16384x2048xf32, #tpu.memory_space<hbm>> -> memref<16384x2048xf32, #tpu.memory_space<hbm>>
      tpu.enqueue_indirect_dma source(%dma_start3A_106 : memref<16384x2048xf32, #tpu.memory_space<hbm>>) target(%arg7 : memref<16x2048xf32, #tpu.memory_space<vmem>>) offsets(%add3A_104 : vector<16xi32>) semaphore(%arg9 : memref<!tpu.dma_semaphore, #tpu.memory_space<semaphore_mem>>)
      %dma_wait3A_107 = arith.constant 0 : i32
      %dma_wait3A_108 = arith.constant 0 : i32
      %dma_wait3A_109 = tpu.memref_slice %arg3[%dma_wait3A_107, %dma_wait3A_108] : memref<16384x2048xf32, #tpu.memory_space<hbm>> -> memref<16384x2048xf32, #tpu.memory_space<hbm>>
      tpu.wait_indirect_dma semaphore(%arg9 : memref<!tpu.dma_semaphore, #tpu.memory_space<semaphore_mem>>) src(%dma_wait3A_109 : memref<16384x2048xf32, #tpu.memory_space<hbm>>) dst(%arg7 : memref<16x2048xf32, #tpu.memory_space<vmem>>)
      %dma_start3A_110 = arith.constant 0 : i32
      %dma_start3A_111 = tpu.memref_slice %arg4[%add3A_34, %dma_start3A_110] : memref<16384x2048xf32, #tpu.memory_space<hbm>> -> memref<16x2048xf32, #tpu.memory_space<hbm>>
      %dma_start3A_112 = arith.constant 0 : i32
      %dma_start3A_113 = tpu.memref_slice %arg4[%add3A_34, %dma_start3A_112] : memref<16384x2048xf32, #tpu.memory_space<hbm>> -> memref<16x2048xf32, #tpu.memory_space<hbm>>
      tpu.enqueue_dma source(%arg7 : memref<16x2048xf32, #tpu.memory_space<vmem>>) target(%dma_start3A_113 : memref<16x2048xf32, #tpu.memory_space<hbm>>) target_semaphore(%arg10 : memref<!tpu.dma_semaphore, #tpu.memory_space<semaphore_mem>>)
      %mul3A_114 = arith.constant 2 : i32
      %mul3A_115 = arith.muli %mul3A_114, %scan3A_24 : i32
      %add3A_116 = arith.constant 1 : i32
      %add3A_117 = arith.addi %mul3A_115, %add3A_116 : i32
      %eq3A_118 = arith.constant 0 : i32
      %eq3A_119 = arith.cmpi eq, %scan3A_24, %eq3A_118 : i32
      %not3A_120 = arith.constant true
      %not3A_121 = arith.xori %eq3A_119, %not3A_120 : i1
      %convert_element_type3A_122 = arith.extui %not3A_121 : i1 to i32
      %cond3A_123 = arith.constant 0 : i32
      %cond3A_124 = arith.cmpi ne, %convert_element_type3A_122, %cond3A_123 : i32
      scf.if %cond3A_124 {
        %dma_wait3A_218 = arith.constant 0 : i32
        %dma_wait3A_219 = arith.constant 0 : i32
        %dma_wait3A_220 = tpu.memref_slice %arg4[%dma_wait3A_218, %dma_wait3A_219] : memref<16384x2048xf32, #tpu.memory_space<hbm>> -> memref<16x2048xf32, #tpu.memory_space<hbm>>
        %dma_wait3A_221 = arith.constant 0 : i32
        %dma_wait3A_222 = arith.constant 0 : i32
        %dma_wait3A_223 = tpu.memref_slice %arg4[%dma_wait3A_221, %dma_wait3A_222] : memref<16384x2048xf32, #tpu.memory_space<hbm>> -> memref<16x2048xf32, #tpu.memory_space<hbm>>
        tpu.wait_dma2 semaphore(%arg11 : memref<!tpu.dma_semaphore, #tpu.memory_space<semaphore_mem>>) src(%arg8 : memref<16x2048xf32, #tpu.memory_space<vmem>>) dst(%dma_wait3A_223 : memref<16x2048xf32, #tpu.memory_space<hbm>>)
      } else {
      }
      %mul3A_125 = arith.constant 512 : i32
      %mul3A_126 = arith.muli %add3A, %mul3A_125 : i32
      %mul3A_127 = arith.constant 16 : i32
      %mul3A_128 = arith.muli %add3A_117, %mul3A_127 : i32
      %add3A_129 = arith.addi %mul3A_126, %mul3A_128 : i32
      %add3A_130 = vector.broadcast %add3A_129 : i32 to vector<16xi32>
      %add3A_131 = arith.addi %add3A_130, %iota3A : vector<16xi32>
      %broadcast_in_dim3A_132 = arith.constant 0 : i32
      %broadcast_in_dim3A_133 = vector.broadcast %broadcast_in_dim3A_132 : i32 to vector<16xi32>
      %add3A_134 = arith.constant 512 : i32
      %add3A_135 = vector.broadcast %add3A_134 : i32 to vector<16xi32>
      %add3A_136 = arith.addi %broadcast_in_dim3A_133, %add3A_135 : vector<16xi32>
      %gather3A_137 = tpu.vector_load_idx %arg6[%add3A_136] : memref<1024xi32, #tpu.memory_space<vmem>>[vector<16xi32>], vector<16xi32>,
      %le3A_138 = arith.cmpi sle, %gather3A_137, %add3A_131 : vector<16xi32>
      %select_n3A_139 = arith.select %le3A_138, %add3A_136, %broadcast_in_dim3A_133 : vector<16xi1>, vector<16xi32>
      %add3A_140 = arith.constant 256 : i32
      %add3A_141 = vector.broadcast %add3A_140 : i32 to vector<16xi32>
      %add3A_142 = arith.addi %select_n3A_139, %add3A_141 : vector<16xi32>
      %gather3A_143 = tpu.vector_load_idx %arg6[%add3A_142] : memref<1024xi32, #tpu.memory_space<vmem>>[vector<16xi32>], vector<16xi32>,
      %le3A_144 = arith.cmpi sle, %gather3A_143, %add3A_131 : vector<16xi32>
      %select_n3A_145 = arith.select %le3A_144, %add3A_142, %select_n3A_139 : vector<16xi1>, vector<16xi32>
      %add3A_146 = arith.constant 128 : i32
      %add3A_147 = vector.broadcast %add3A_146 : i32 to vector<16xi32>
      %add3A_148 = arith.addi %select_n3A_145, %add3A_147 : vector<16xi32>
      %gather3A_149 = tpu.vector_load_idx %arg6[%add3A_148] : memref<1024xi32, #tpu.memory_space<vmem>>[vector<16xi32>], vector<16xi32>,
      %le3A_150 = arith.cmpi sle, %gather3A_149, %add3A_131 : vector<16xi32>
      %select_n3A_151 = arith.select %le3A_150, %add3A_148, %select_n3A_145 : vector<16xi1>, vector<16xi32>
      %add3A_152 = arith.constant 64 : i32
      %add3A_153 = vector.broadcast %add3A_152 : i32 to vector<16xi32>
      %add3A_154 = arith.addi %select_n3A_151, %add3A_153 : vector<16xi32>
      %gather3A_155 = tpu.vector_load_idx %arg6[%add3A_154] : memref<1024xi32, #tpu.memory_space<vmem>>[vector<16xi32>], vector<16xi32>,
      %le3A_156 = arith.cmpi sle, %gather3A_155, %add3A_131 : vector<16xi32>
      %select_n3A_157 = arith.select %le3A_156, %add3A_154, %select_n3A_151 : vector<16xi1>, vector<16xi32>
      %add3A_158 = arith.constant 32 : i32
      %add3A_159 = vector.broadcast %add3A_158 : i32 to vector<16xi32>
      %add3A_160 = arith.addi %select_n3A_157, %add3A_159 : vector<16xi32>
      %gather3A_161 = tpu.vector_load_idx %arg6[%add3A_160] : memref<1024xi32, #tpu.memory_space<vmem>>[vector<16xi32>], vector<16xi32>,
      %le3A_162 = arith.cmpi sle, %gather3A_161, %add3A_131 : vector<16xi32>
      %select_n3A_163 = arith.select %le3A_162, %add3A_160, %select_n3A_157 : vector<16xi1>, vector<16xi32>
      %add3A_164 = arith.constant 16 : i32
      %add3A_165 = vector.broadcast %add3A_164 : i32 to vector<16xi32>
      %add3A_166 = arith.addi %select_n3A_163, %add3A_165 : vector<16xi32>
      %gather3A_167 = tpu.vector_load_idx %arg6[%add3A_166] : memref<1024xi32, #tpu.memory_space<vmem>>[vector<16xi32>], vector<16xi32>,
      %le3A_168 = arith.cmpi sle, %gather3A_167, %add3A_131 : vector<16xi32>
      %select_n3A_169 = arith.select %le3A_168, %add3A_166, %select_n3A_163 : vector<16xi1>, vector<16xi32>
      %add3A_170 = arith.constant 8 : i32
      %add3A_171 = vector.broadcast %add3A_170 : i32 to vector<16xi32>
      %add3A_172 = arith.addi %select_n3A_169, %add3A_171 : vector<16xi32>
      %gather3A_173 = tpu.vector_load_idx %arg6[%add3A_172] : memref<1024xi32, #tpu.memory_space<vmem>>[vector<16xi32>], vector<16xi32>,
      %le3A_174 = arith.cmpi sle, %gather3A_173, %add3A_131 : vector<16xi32>
      %select_n3A_175 = arith.select %le3A_174, %add3A_172, %select_n3A_169 : vector<16xi1>, vector<16xi32>
      %add3A_176 = arith.constant 4 : i32
      %add3A_177 = vector.broadcast %add3A_176 : i32 to vector<16xi32>
      %add3A_178 = arith.addi %select_n3A_175, %add3A_177 : vector<16xi32>
      %gather3A_179 = tpu.vector_load_idx %arg6[%add3A_178] : memref<1024xi32, #tpu.memory_space<vmem>>[vector<16xi32>], vector<16xi32>,
      %le3A_180 = arith.cmpi sle, %gather3A_179, %add3A_131 : vector<16xi32>
      %select_n3A_181 = arith.select %le3A_180, %add3A_178, %select_n3A_175 : vector<16xi1>, vector<16xi32>
      %add3A_182 = arith.constant 2 : i32
      %add3A_183 = vector.broadcast %add3A_182 : i32 to vector<16xi32>
      %add3A_184 = arith.addi %select_n3A_181, %add3A_183 : vector<16xi32>
      %gather3A_185 = tpu.vector_load_idx %arg6[%add3A_184] : memref<1024xi32, #tpu.memory_space<vmem>>[vector<16xi32>], vector<16xi32>,
      %le3A_186 = arith.cmpi sle, %gather3A_185, %add3A_131 : vector<16xi32>
      %select_n3A_187 = arith.select %le3A_186, %add3A_184, %select_n3A_181 : vector<16xi1>, vector<16xi32>
      %add3A_188 = arith.constant 1 : i32
      %add3A_189 = vector.broadcast %add3A_188 : i32 to vector<16xi32>
      %add3A_190 = arith.addi %select_n3A_187, %add3A_189 : vector<16xi32>
      %gather3A_191 = tpu.vector_load_idx %arg6[%add3A_190] : memref<1024xi32, #tpu.memory_space<vmem>>[vector<16xi32>], vector<16xi32>,
      %le3A_192 = arith.cmpi sle, %gather3A_191, %add3A_131 : vector<16xi32>
      %select_n3A_193 = arith.select %le3A_192, %add3A_190, %select_n3A_187 : vector<16xi1>, vector<16xi32>
      %gather3A_194 = tpu.vector_load_idx %arg6[%select_n3A_193] : memref<1024xi32, #tpu.memory_space<vmem>>[vector<16xi32>], vector<16xi32>,
      %and3A_195 = arith.constant 7 : i32
      %and3A_196 = vector.broadcast %and3A_195 : i32 to vector<16xi32>
      %and3A_197 = arith.andi %select_n3A_193, %and3A_196 : vector<16xi32>
      %gather3A_198 = tpu.vector_load_idx %arg5[%and3A_197] : memref<16xi32, #tpu.memory_space<vmem>>[vector<16xi32>], vector<16xi32>,
      %shift_right_arithmetic3A_199 = arith.constant 3 : i32
      %shift_right_arithmetic3A_200 = vector.broadcast %shift_right_arithmetic3A_199 : i32 to vector<16xi32>
      %shift_right_arithmetic3A_201 = arith.shrsi %select_n3A_193, %shift_right_arithmetic3A_200 : vector<16xi32>
      %shift_left3A_202 = arith.constant 7 : i32
      %shift_left3A_203 = vector.broadcast %shift_left3A_202 : i32 to vector<16xi32>
      %shift_left3A_204 = arith.shli %shift_right_arithmetic3A_201, %shift_left3A_203 : vector<16xi32>
      %add3A_205 = arith.addi %gather3A_198, %shift_left3A_204 : vector<16xi32>
      %sub3A_206 = arith.subi %add3A_131, %gather3A_194 : vector<16xi32>
      %add3A_207 = arith.addi %add3A_205, %sub3A_206 : vector<16xi32>
      %dma_start3A_208 = arith.constant 0 : i32
      %dma_start3A_209 = arith.constant 0 : i32
      %dma_start3A_210 = tpu.memref_slice %arg3[%dma_start3A_208, %dma_start3A_209] : memref<16384x2048xf32, #tpu.memory_space<hbm>> -> memref<16384x2048xf32, #tpu.memory_space<hbm>>
      tpu.enqueue_indirect_dma source(%dma_start3A_210 : memref<16384x2048xf32, #tpu.memory_space<hbm>>) target(%arg8 : memref<16x2048xf32, #tpu.memory_space<vmem>>) offsets(%add3A_207 : vector<16xi32>) semaphore(%arg9 : memref<!tpu.dma_semaphore, #tpu.memory_space<semaphore_mem>>)
      %dma_wait3A_211 = arith.constant 0 : i32
      %dma_wait3A_212 = arith.constant 0 : i32
      %dma_wait3A_213 = tpu.memref_slice %arg3[%dma_wait3A_211, %dma_wait3A_212] : memref<16384x2048xf32, #tpu.memory_space<hbm>> -> memref<16384x2048xf32, #tpu.memory_space<hbm>>
      tpu.wait_indirect_dma semaphore(%arg9 : memref<!tpu.dma_semaphore, #tpu.memory_space<semaphore_mem>>) src(%dma_wait3A_213 : memref<16384x2048xf32, #tpu.memory_space<hbm>>) dst(%arg8 : memref<16x2048xf32, #tpu.memory_space<vmem>>)
      %dma_start3A_214 = arith.constant 0 : i32
      %dma_start3A_215 = tpu.memref_slice %arg4[%add3A_129, %dma_start3A_214] : memref<16384x2048xf32, #tpu.memory_space<hbm>> -> memref<16x2048xf32, #tpu.memory_space<hbm>>
      %dma_start3A_216 = arith.constant 0 : i32
      %dma_start3A_217 = tpu.memref_slice %arg4[%add3A_129, %dma_start3A_216] : memref<16384x2048xf32, #tpu.memory_space<hbm>> -> memref<16x2048xf32, #tpu.memory_space<hbm>>
      tpu.enqueue_dma source(%arg8 : memref<16x2048xf32, #tpu.memory_space<vmem>>) target(%dma_start3A_217 : memref<16x2048xf32, #tpu.memory_space<hbm>>) target_semaphore(%arg11 : memref<!tpu.dma_semaphore, #tpu.memory_space<semaphore_mem>>)
    }
    %scan3A_12 = arith.constant 16 : i32
    %dma_wait3A = arith.constant 0 : i32
    %dma_wait3A_13 = arith.constant 0 : i32
    %dma_wait3A_14 = tpu.memref_slice %arg4[%dma_wait3A, %dma_wait3A_13] : memref<16384x2048xf32, #tpu.memory_space<hbm>> -> memref<16x2048xf32, #tpu.memory_space<hbm>>
    %dma_wait3A_15 = arith.constant 0 : i32
    %dma_wait3A_16 = arith.constant 0 : i32
    %dma_wait3A_17 = tpu.memref_slice %arg4[%dma_wait3A_15, %dma_wait3A_16] : memref<16384x2048xf32, #tpu.memory_space<hbm>> -> memref<16x2048xf32, #tpu.memory_space<hbm>>
    tpu.wait_dma2 semaphore(%arg10 : memref<!tpu.dma_semaphore, #tpu.memory_space<semaphore_mem>>) src(%arg7 : memref<16x2048xf32, #tpu.memory_space<vmem>>) dst(%dma_wait3A_17 : memref<16x2048xf32, #tpu.memory_space<hbm>>)
    %dma_wait3A_18 = arith.constant 0 : i32
    %dma_wait3A_19 = arith.constant 0 : i32
    %dma_wait3A_20 = tpu.memref_slice %arg4[%dma_wait3A_18, %dma_wait3A_19] : memref<16384x2048xf32, #tpu.memory_space<hbm>> -> memref<16x2048xf32, #tpu.memory_space<hbm>>
    %dma_wait3A_21 = arith.constant 0 : i32
    %dma_wait3A_22 = arith.constant 0 : i32
    %dma_wait3A_23 = tpu.memref_slice %arg4[%dma_wait3A_21, %dma_wait3A_22] : memref<16384x2048xf32, #tpu.memory_space<hbm>> -> memref<16x2048xf32, #tpu.memory_space<hbm>>
    tpu.wait_dma2 semaphore(%arg11 : memref<!tpu.dma_semaphore, #tpu.memory_space<semaphore_mem>>) src(%arg8 : memref<16x2048xf32, #tpu.memory_space<vmem>>) dst(%dma_wait3A_23 : memref<16x2048xf32, #tpu.memory_space<hbm>>)
    return
  }
}

</mosaic_0001>

<sc_bundles>
// kernel: kernel.3.cloned.1.call-start
scs
__scs_entry_jumppad:
0x0: {  	(pc) =	sbr.rel $0x88, $3  }
0x1: {  	(tag) =	ssettag $0x0;
	lr =	simm.s32 $0x1  }
0x2: {  	[smem:$0x3F9F] =	sst lr;
	_ =	strace $0xD0000000  }
0x3: {  	_ = 	snop  }
0x4: {  	_ = 	snop  }
0x5: {  	_ = 	snop  }
0x6: {  	_ = 	snop  }
0x7: {  	_ = 	snop  }
__scs_overlays_trampoline_lowered:
0x8: {  	[smem:$0x3FAE] =	sst s0  }
0x9: {  	[smem:$0x3FAF] =	sst s1  }
0xa: {  	[smem:$0x3FB0] =	sst s2  }
0xb: {  	[smem:$0x3FB1] =	sst s3  }
0xc: {  	[smem:$0x3FB2] =	sst s4  }
0xd: {  	[smem:$0x3FB3] =	sst s5  }
0xe: {  	[smem:$0x3FB4] =	sst s6  }
0xf: {  	[smem:$0x3FB5] =	sst s7  }
0x10: {  	[smem:$0x3FB6] =	sst s8  }
0x11: {  	[smem:$0x3FB7] =	sst s9;
	s0 =	simm.s32 @!p0 $0x0  }
0x12: {  	s1 =	sld [smem:$0x3F9D];
	s0 =	simm.s32 @p0 $0x1  }
0x13: {  	[smem:$0x3FB8] =	sst s0;
	s0 =	simm.s32 @!p1 $0x0  }
0x14: {  	s2 =	sld [smem:$0x3F9C];
	s0 =	simm.s32 @p1 $0x1  }
0x15: {  	[smem:$0x3FB9] =	sst s0;
	s0 =	simm.s32 @!p2 $0x0  }
0x16: {  	s3 =	sld [smem:$0x3FDB];
	s0 =	simm.s32 @p2 $0x1  }
0x17: {  	s4 =	simm.s32 $0x1BF5;
	[smem:$0x3FBB] =	sst s0  }
0x18: {  	s0 =	sld [smem:$0x3F9E];
	_ =	swait.ge [sflag:s4], $0x0  }
0x19: {  	s7 =	sld [smem:$0x3F9F]  }
0x1a: {  	s8 =	sadd.s32 $0xFFFFE003, lr  }
0x1b: {  	s9 =	sadd.s32 $0xFFFFFEF7, lr;
	s5 =	simm.s32 $0xFFFFFFFF;
	p2 =	slt.u32 s8, $0xFFFFF086  }
0x1c: {  	p1 =	slt.u32 s9, $0xF7A;
	s5 =	simm.s32 @!p2 $0x0  }
0x1d: {  	s5 =	simm.s32 @p1 $0x1;
	p0 =	seq.s32 s7, s2  }
0x1e: {  	s7 =	smul.u32 @!p0 $0xF7A, s2;
	p2 =	seq.s32 @!p0 s5, $0x0  }
0x1f: {  	s9 =	smul.u32 $0xF7A, s1;
	s8 =	simm.s32 @!p0 $0x1BF5;
	p2 =	por !p2, p0  }
0x20: {  	[sflag:s8] =	ssyncset.s32 @!p0 $0xFFFFF086;
	s6 =	sadd.s32 @!p0 s3, s7;
	s7 =	simm.s32 @!p0 $0x108  }
0x21: {  	s3 =	sadd.s32 s3, s9;
	s6 =	sadd.s32 @!p0 $0x88, s6;
	s7 =	simm.s32 @p2 $0x1082  }
0x22: {  	[simem:s7], [sflag:s8] =	dma.local @!p0 [hbm:s6], $0xF7A  }
0x23: {  	s9 =	sor.u32 $0xD0000000, s2;
	s6 =	simm.s32 $0x108;
	_ =	swait.ge @!p0 [sflag:s8], $0x0  }
0x24: {  	s3 =	sadd.s32 $0x88, s3;
	s6 =	simm.s32 @!p1 $0x1082;
	[sflag:s4] =	ssyncset.s32 $0xFFFFF086  }
0x25: {  	[simem:s6], [sflag:s4] =	dma.local [hbm:s3], $0xF7A  }
0x26: {  	[smem:$0x3F9F] =	sst s1;
	(tag) =	ssettag s2;
	_ =	strace s9  }
0x27: {  	s1 =	sld [smem:$0x3FAF]  }
0x28: {  	s2 =	sld [smem:$0x3FB0]  }
0x29: {  	s4 =	sld [smem:$0x3FB2]  }
0x2a: {  	p0 =	seq.s32 s5, $0x0;
	s5 =	sld [smem:$0x3FB3]  }
0x2b: {  	s6 =	sld [smem:$0x3FB4]  }
0x2c: {  	s7 =	sld [smem:$0x3FB5]  }
0x2d: {  	s3 =	simm.s32 $0x108;
	s8 =	sld [smem:$0x3FB6]  }
0x2e: {  	s3 =	simm.s32 @!p0 $0x1082;
	s9 =	sld [smem:$0x3FB7]  }
0x2f: {  	lr =	sadd.s32 s0, s3;
	s0 =	sld [smem:$0x3FAE]  }
0x30: {  	s3 =	sld [smem:$0x3FB1]  }
0x31: {  	[smem:$0x3FBA] =	sst s10  }
0x32: {  	s10 =	sld [smem:$0x3FB8];
	_ =	sdelay $0x3  }
0x33: {  	p0 =	seq.s32 s10, $0x1;
	s10 =	sld [smem:$0x3FBA];
	_ =	sdelay $0x3  }
0x34: {  	[smem:$0x3FBA] =	sst s10  }
0x35: {  	s10 =	sld [smem:$0x3FB9];
	_ =	sdelay $0x3  }
0x36: {  	p1 =	seq.s32 s10, $0x1;
	s10 =	sld [smem:$0x3FBA];
	_ =	sdelay $0x3  }
0x37: {  	[smem:$0x3FBA] =	sst s10  }
0x38: {  	s10 =	sld [smem:$0x3FBB]  }
0x39: {  	_ = 	snop;
	(pc) =	sbr.ind lr, $3  }
0x3a: {  	_ = 	snop  }
0x3b: {  	_ = 	snop  }
0x3c: {  	p2 =	seq.s32 s10, $0x1;
	s10 =	sld [smem:$0x3FBA]  }
0x3d: {  	_ =	shalt  }
0x3e: {  	_ =	shalt  }
0x3f: {  	_ =	shalt  }
0x40: {  	_ =	shalt  }
0x41: {  	_ =	shalt  }
0x42: {  	_ =	shalt  }
0x43: {  	_ =	shalt  }
0x44: {  	_ =	shalt  }
0x45: {  	_ =	shalt  }
0x46: {  	_ =	shalt  }
0x47: {  	_ =	shalt  }
0x48: {  	_ =	shalt  }
0x49: {  	_ =	shalt  }
0x4a: {  	_ =	shalt  }
0x4b: {  	_ =	shalt  }
0x4c: {  	_ =	shalt  }
0x4d: {  	_ =	shalt  }
0x4e: {  	_ =	shalt  }
0x4f: {  	_ =	shalt  }
0x50: {  	_ =	shalt  }
0x51: {  	_ =	shalt  }
0x52: {  	_ =	shalt  }
0x53: {  	_ =	shalt  }
0x54: {  	_ =	shalt  }
0x55: {  	_ =	shalt  }
0x56: {  	_ =	shalt  }
0x57: {  	_ =	shalt  }
0x58: {  	_ =	shalt  }
0x59: {  	_ =	shalt  }
0x5a: {  	_ =	shalt  }
0x5b: {  	_ =	shalt  }
0x5c: {  	_ =	shalt  }
0x5d: {  	_ =	shalt  }
0x5e: {  	_ =	shalt  }
0x5f: {  	_ =	shalt  }
0x60: {  	_ =	shalt  }
0x61: {  	_ =	shalt  }
0x62: {  	_ =	shalt  }
0x63: {  	_ =	shalt  }
0x64: {  	_ =	shalt  }
0x65: {  	_ =	shalt  }
0x66: {  	_ =	shalt  }
0x67: {  	_ =	shalt  }
0x68: {  	_ =	shalt  }
0x69: {  	_ =	shalt  }
0x6a: {  	_ =	shalt  }
0x6b: {  	_ =	shalt  }
0x6c: {  	_ =	shalt  }
0x6d: {  	_ =	shalt  }
0x6e: {  	_ =	shalt  }
0x6f: {  	_ =	shalt  }
0x70: {  	_ =	shalt  }
0x71: {  	_ =	shalt  }
0x72: {  	_ =	shalt  }
0x73: {  	_ =	shalt  }
0x74: {  	_ =	shalt  }
0x75: {  	_ =	shalt  }
0x76: {  	_ =	shalt  }
0x77: {  	_ =	shalt  }
0x78: {  	_ =	shalt  }
0x79: {  	_ =	shalt  }
0x7a: {  	_ =	shalt  }
0x7b: {  	_ =	shalt  }
0x7c: {  	_ =	shalt  }
0x7d: {  	_ =	shalt  }
0x7e: {  	_ =	shalt  }
0x7f: {  	_ =	shalt  }
0x80: {  	_ =	shalt  }
0x81: {  	_ =	shalt  }
0x82: {  	_ =	shalt  }
0x83: {  	_ =	shalt  }
0x84: {  	_ =	shalt  }
0x85: {  	_ =	shalt  }
0x86: {  	_ =	shalt  }
0x87: {  	_ =	shalt  }
.Lfunc_end0:
.L_simem_size_0:
called_computation_lowered:
.L_overlay_start_0:
0x88: {  	s2 =	sld [smem:$0x3FD9]  }
0x89: {  	s3 =	sld [smem:$0x3FFE];
	_ =	sdelay $0x1  }
0x8a: {  	s1 =	srdreg.scid  }
0x8b: {  	s0 =	sand.u32 $0x1, s1  }
0x8c: {  	s17 =	sshll.u32 s0, $0xA;
	s2 =	sadd.s32 s3, s2  }
0x8d: {  	s2 =	sadd.s32 s2, s17  }
0x8e: {  	[smem:$0x3FC6] =	sst s2  }
0x8f: {  	_ = 	snop  }
0x90: {  	s2 =	sld [smem:$0x3FC9]  }
0x91: {  	s18 =	sld [smem:$0x3FD0];
	(tm) =	ssettm $0x1  }
0x92: {  	s4 =	sld [smem:$0x3FFB];
	_ =	sdelay $0x3  }
0x93: {  	_ =	strace s4  }
0x94: {  	s4 =	sld [smem:$0x3FFC];
	_ =	sdelay $0x3  }
0x95: {  	_ =	strace s4  }
0x96: {  	s4 =	sld [smem:$0x3FFD];
	_ =	sdelay $0x3  }
0x97: {  	_ =	strace s4  }
0x98: {  	_ =	strace $0x8FFFFFFF  }
0x99: {  	s19 =	sld [smem:$0x3FDB];
	_ =	sdelay $0x1  }
0x9a: {  	s5 =	simm.s32 $_scs_section_size  }
0x9b: {  	s6 =	simm.s32 $_size__tile_overlayer_lowered;
	s7 =	simm.s32 $_tile_overlayer_lowered  }
0x9c: {  	s22 =	simm.s32 $0x1BFF;
	s21 =	sshll.u32 s7, $0x1;
	s4 =	sadd.s32 s5, s19  }
0x9d: {  	s8 =	simm.s32 $0x0;
	s20 =	sshll.u32 s6, $0x1;
	s6 =	sadd.s32 s21, s4  }
0x9e: {  	[timem:s8], [sflag:s22] =	dma.local [hbm:s6], s20  }
0x9f: {  	_ =	swait.ge [sflag:s22], s20  }
0xa0: {  	s5 =	ssub.s32 $0x0, s20;
	[sflag:s22] =	ssyncset.done $0x0  }
0xa1: {  	[sflag:s22] =	ssyncadd.s32 s5;
	_ =	sdelay $0x1  }
0xa2: {  	s23 =	simm.s32 $0x1B8B  }
0xa3: {  	_ =	swait.ge [sflag:s23], $0x1  }
0xa4: {  	[sflag:s23] =	ssyncset.done $0x0  }
0xa5: {  	s25 =	simm.s32 $0x1B8E;
	s24 =	sld [smem:$0x3FFE];
	[sflag:s23] =	ssyncadd.s32 $0xFFFFFFFF  }
0xa6: {  	s26 =	simm.s32 $execute0_lowered;
	[smem:$0x3FD2] =	sst s25  }
0xa7: {  	s6 =	sshll.u32 s26, $0x1;
	_ =	strace $0x80000046;
	[dreg:$0x1] =	wrdreg $0xFFFFFFFF  }
0xa8: {  	s28 =	simm.s32 $_size_execute0_lowered;
	s4 =	sadd.s32 s4, s6;
	[dreg:$0x0] =	wrdreg $0x0  }
0xa9: {  	s6 =	sshll.u32 s28, $0x1;
	[dreg:$0x2] =	wrdreg s4  }
0xaa: {  	[dreg:$0x3] =	wrdreg s6  }
0xab: {  	[dreg:$0x4] =	wrdreg $0xC0  }
0xac: {  	_ =	task [dreg:s8], $0x5FFFF  }
0xad: {  	[dreg:$0x1] =	wrdreg $0xFFFFFFFF  }
0xae: {  	[dreg:$0x0] =	wrdreg $0x60  }
0xaf: {  	[dreg:$0x2] =	wrdreg s24  }
0xb0: {  	[dreg:$0x3] =	wrdreg s2  }
0xb1: {  	[dreg:$0x4] =	wrdreg s18  }
0xb2: {  	[dreg:$0x5] =	wrdreg $0x9  }
0xb3: {  	_ =	task.clear_ibuf [dreg:s8], $0x6FFFF;
	_ =	strace $0x90000046  }
0xb4: {  	s29 =	simm.s32 $0x9;
	_ =	strace $0x80000048  }
0xb5: {  	_ =	swait.ge [sflag:s29], $0x1  }
0xb6: {  	[sflag:s29] =	ssyncadd.s32 $0xFFFFFFFF  }
0xb7: {  	_ =	strace $0x90000048  }
0xb8: {  	_ =	sfence  }
0xb9: {  	s30 =	sld [smem:$0x0];
	_ =	sdelay $0x2  }
0xba: {  	s31 =	sshll.u32 s1, $0xD;
	s1 =	sshrl.u32 s1, $0x2  }
0xbb: {  	s3 =	sand.u32 $0x4000, s31;
	s1 =	sadd.s32 s1, s30  }
0xbc: {  	s0 =	sor.u32 s3, s0;
	s1 =	sshll.u32 s1, $0x11  }
0xbd: {  	s0 =	sor.u32 s1, s0  }
0xbe: {  	s0 =	sadd.s32 $0x8F2B, s0  }
0xbf: {  	[sflag:s0] =	ssyncadd.remote.s32 $0x1  }
0xc0: {  	_ =	sfence.sel $0xFFFF  }
0xc1: {  	[dreg:$0x0] =	wrdreg $0xFFFFFFFF;
	(pc) =	sbr.abs _section_cstart, $3  }
0xc2: {  	[dreg:$0x1] =	wrdreg $0xFFFFFFFF  }
0xc3: {  	_ =	task.clear_ibuf [dreg:s8], $0x2FFFF;
	_ =	strace $0x9FFFFFFF  }
0xc4: {  	(tm) =	ssettm $0x7FFFFFFF  }
0xc5: {  	_ =	shalt  }
tec
execute0_lowered:
.L_overlay_start_1:
0x0: {  	(tag) =	ssettag $0x1  }
0x1: {  	s0 =	rddreg [dreg:$0x0]  }
0x2: {  	s2 =	rddreg [dreg:$0x1]  }
0x3: {  	s1 =	rddreg [dreg:$0x2];
	s4 =	srdreg.scid;
	s3 =	simm.s32 $0x0  }
0x4: {  	s6 =	stileid.u32;
	[smem:$0x7FF] =	sst s3;
	s0 =	sadd.s32 $0x400, s0  }
0x5: {  	s26 =	simm.s32 $0xC80;
	_ =	strace $0x80000047;
	[dreg:$0x19] =	wrdreg s0  }
0x6: {  	s8 =	simm.s32 $0x1C80;
	s9 =	simm.s32 $0x2480;
	[dreg:$0x5] =	wrdreg s26  }
0x7: {  	s10 =	simm.s32 $0x2C80;
	s11 =	simm.s32 $0x3480;
	[dreg:$0x7] =	wrdreg s8  }
0x8: {  	s13 =	simm.s32 $0x3C80;
	s14 =	simm.s32 $0x4480;
	[dreg:$0x8] =	wrdreg s9  }
0x9: {  	s15 =	simm.s32 $0x4C80;
	s16 =	simm.s32 $0x5480;
	[dreg:$0x9] =	wrdreg s10  }
0xa: {  	s17 =	simm.s32 $0x5C80;
	s18 =	simm.s32 $0x6480;
	[dreg:$0xa] =	wrdreg s11  }
0xb: {  	s19 =	simm.s32 $0x6C80;
	s20 =	simm.s32 $0x7480;
	[dreg:$0xb] =	wrdreg s13  }
0xc: {  	s22 =	simm.s32 $0x7C80;
	s23 =	simm.s32 $0x8C80;
	[dreg:$0xc] =	wrdreg s14  }
0xd: {  	s24 =	simm.s32 $0x9480;
	s28 =	simm.s32 $0xF480;
	[dreg:$0xd] =	wrdreg s15  }
0xe: {  	s29 =	simm.s32 $0xFC80;
	s31 =	simm.s32 $0x3;
	[dreg:$0xe] =	wrdreg s16  }
0xf: {  	s4 =	sand.u32 $0x1, s4;
	s5 =	sshll.u32 s6, $0x12;
	[dreg:$0xf] =	wrdreg s17  }
0x10: {  	s12 =	sshll.u32 s6, $0xA;
	s6 =	sadd.s32 $0x200, s2;
	[dreg:$0x10] =	wrdreg s18  }
0x11: {  	s1 =	sadd.s32 s5, s1;
	s25 =	sshll.u32 s4, $0x11;
	[dreg:$0x11] =	wrdreg s19  }
0x12: {  	s30 =	ssub.s32 $0x2, s4;
	s5 =	simm.s32 $0x1480;
	[dreg:$0x12] =	wrdreg s20  }
0x13: {  	s4 =	sshll.u32 s4, $0x9;
	s8 =	sadd.s32 $0x400, s2;
	[dreg:$0x13] =	wrdreg s22  }
0x14: {  	s9 =	sadd.s32 $0x500, s2;
	s10 =	sadd.s32 $0x600, s2;
	[dreg:$0x14] =	wrdreg s23  }
0x15: {  	s11 =	sadd.s32 $0x700, s2;
	s15 =	simm.s32 $0x80;
	[dreg:$0x15] =	wrdreg s24  }
0x16: {  	s16 =	simm.s32 $0x480;
	s26 =	simm.s32 $0xA480;
	s17 =	simm.s32 $0x1  }
0x17: {  	s18 =	simm.s32 $0x8480;
	s19 =	simm.s32 $0xB480;
	s20 =	simm.s32 $0xBC80  }
0x18: {  	s22 =	simm.s32 $0xCC80;
	s23 =	simm.s32 $0xD480;
	s24 =	simm.s32 $0xDC80  }
0x19: {  	s0 =	simm.s32 $0x0;
	s1 =	sadd.s32 s25, s1;
	[dreg:$0x6] =	wrdreg s5  }
0x1a: {  	s7 =	sshrl.u32 s30, $0x1;
	s5 =	sadd.s32 $0x100, s2;
	[dreg:$0x17] =	wrdreg s26  }
0x1b: {  	s21 =	sor.u32 s4, s12;
	s25 =	simm.s32 $0x9C80;
	[dreg:$0x4] =	wrdreg s1  }
0x1c: {  	s1 =	ssub.s32 s30, s7;
	[dreg:$0x16] =	wrdreg s25;
	s30 =	simm.s32 $0xAC80  }
0x1d: {  	v0 =	vlaneseq.u32;
	v4 =	vimm.s32 $0x200;
	vm0 =	vmmov $0xffff;
	s26 =	simm.s32 $0xEC80;
	s1 =	smax.u32 s1, $0x1;
	[dreg:$0x18] =	wrdreg s30  }
0x1e: {  	v1 =	vand.u32 $0x7, v0;
	v3 =	vmul.u32 $0x10, v0;
	v5 =	vshrl.u32 v0, $0x3;
	s7 =	sadd.s32 $0x300, s2;
	[dreg:$0x1a] =	wrdreg s1;
	s1 =	sor.u32 $0x10, s21  }
0x1f: {  	v6 =	vor.u32 $0x8, v0;
	v2 =	vadd.s32 $0x1, v1;
	v5 =	vmul.u32 $0x8, v5;
	s25 =	simm.s32 $0xE480;
	s21 =	simm.s32 $0xC480;
	[dreg:$0x1b] =	wrdreg s1  }
.LBB2_1:
0x20: {  	s1 =	rddreg [dreg:$0x19];
	s4 =	simm.s32 $0x4  }
0x21: {  	[tilespmem:s3], [sflag:$0x4] =	stream.linear.gather [hbm4b:s1+s3], $0x80, $0x38;
	[tilespmem:$0x10480] =	vst v63  }
0x22: {  	_ =	swait.ge [sflag:s4], $0x80  }
0x23: {  	[sflag:s4] =	ssyncset.done $0x0  }
0x24: {  	[sflag:s4] =	ssyncadd.s32 $0xFFFFFF80  }
0x25: {  	v7 =	vld.idx.msk [tilespmem:v1+s3+$0x0], $0xffff  }
0x26: {  	v9 =	vmov s3;
	v8 =	vld.idx.msk [tilespmem:v2+s3+$0x0], $0xffff  }
0x27: {  	v9 =	vshll.u32 v9, $0x4  }
0x28: {  	v9 =	vor.u32 v3, v9  }
0x29: {  	v9 =	vand.u32 $0x3C80, v9  }
0x2a: {  	v7 =	vadd.s32 v9, v7  }
0x2b: {  	v7 =	vsub.s32 v8, v7  }
0x2c: {  	vm1 =	vgt.s32 v7, $0x0  }
0x2d: {  	v7 =	vnsel vm1, $0x0, v7  }
0x2e: {  	v7 =	vmin.u32 v7, $0x80  }
0x2f: {  	(xrf0) =	vadd.scan.msk.s32 $0xffff, v7;
	_ =	sdelay $0x5  }
0x30: {  	v7 =	vsub.s32 s3, v7;
	v8, _, _ =	vpop (xrf0)  }
0x31: {  	s4 =	simm.s32 $0xA0;
	v7 =	vadd.s32 v8, v7  }
0x32: {  	[tilespmem:s4+$0xFFFFFFE0] =	vst v7  }
0x33: {  	s12 =	simm.s32 $0x10;
	v7 =	vld.idx.msk [tilespmem:v1+s3+$0x0], $0xffff  }
0x34: {  	v60 =	vmov s12;
	(v2sf) =	vpush v8, $0xF;
	v8 =	vld.idx.msk [tilespmem:v2+s3+$0x0], $0xffff  }
0x35: {  	v9 =	vshll.u32 v60, $0x4  }
0x36: {  	v9 =	vor.u32 v3, v9  }
0x37: {  	v9 =	vand.u32 $0x7FFFFF80, v9  }
0x38: {  	v7 =	vadd.s32 v9, v7  }
0x39: {  	v7 =	vsub.s32 v8, v7  }
0x3a: {  	vm1 =	vgt.s32 v7, $0x0  }
0x3b: {  	v7 =	vnsel vm1, $0x0, v7  }
0x3c: {  	v7 =	vmin.u32 v7, $0x80  }
0x3d: {  	(xrf0) =	vadd.scan.msk.s32 $0xffff, v7;
	_ =	sdelay $0x5  }
0x3e: {  	s13 =	spop (v2sf);
	v8, _, _ =	vpop (xrf0)  }
0x3f: {  	s1 =	sadd.s32 $0x0, s13;
	v7 =	vsub.s32 v8, v7  }
0x40: {  	v7 =	vadd.s32 s1, v7  }
0x41: {  	[tilespmem:s4+$0xFFFFFFF0] =	vst v7  }
0x42: {  	s12 =	simm.s32 $0x20;
	v7 =	vld.idx.msk [tilespmem:v1+s3+$0x0], $0xffff  }
0x43: {  	v61 =	vmov s12;
	(v2sf) =	vpush v8, $0xF;
	v8 =	vld.idx.msk [tilespmem:v2+s3+$0x0], $0xffff  }
0x44: {  	v9 =	vshll.u32 v61, $0x4  }
0x45: {  	v9 =	vor.u32 v3, v9  }
0x46: {  	v9 =	vand.u32 $0x7FFFFF80, v9  }
0x47: {  	v7 =	vadd.s32 v9, v7  }
0x48: {  	v7 =	vsub.s32 v8, v7  }
0x49: {  	vm1 =	vgt.s32 v7, $0x0  }
0x4a: {  	v7 =	vnsel vm1, $0x0, v7  }
0x4b: {  	v7 =	vmin.u32 v7, $0x80  }
0x4c: {  	(xrf0) =	vadd.scan.msk.s32 $0xffff, v7;
	_ =	sdelay $0x5  }
0x4d: {  	s14 =	spop (v2sf);
	v8, _, _ =	vpop (xrf0)  }
0x4e: {  	s1 =	sadd.s32 s1, s14;
	v7 =	vsub.s32 v8, v7  }
0x4f: {  	v7 =	vadd.s32 s1, v7  }
0x50: {  	[tilespmem:s4+$0x0] =	vst v7  }
0x51: {  	s13 =	simm.s32 $0x30;
	v7 =	vld.idx.msk [tilespmem:v1+s3+$0x0], $0xffff  }
0x52: {  	v10 =	vmov s13;
	v62 =	vld.idx.msk [tilespmem:v2+s3+$0x0], $0xffff  }
0x53: {  	v10 =	vshll.u32 v10, $0x4;
	(v2sf) =	vpush v8, $0xF  }
0x54: {  	v8 =	vor.u32 v3, v10  }
0x55: {  	v8 =	vand.u32 $0x7FFFFF80, v8  }
0x56: {  	v7 =	vadd.s32 v8, v7  }
0x57: {  	v7 =	vsub.s32 v62, v7  }
0x58: {  	vm1 =	vgt.s32 v7, $0x0  }
0x59: {  	v7 =	vnsel vm1, $0x0, v7  }
0x5a: {  	v7 =	vmin.u32 v7, $0x80  }
0x5b: {  	(xrf0) =	vadd.scan.msk.s32 $0xffff, v7;
	_ =	sdelay $0x5  }
0x5c: {  	v8, _, _ =	vpop (xrf0)  }
0x5d: {  	s14 =	spop (v2sf);
	(v2sf) =	vpush v8, $0xF  }
0x5e: {  	s14 =	sadd.s32 s1, s14;
	v7 =	vsub.s32 v8, v7  }
0x5f: {  	v7 =	vadd.s32 s14, v7  }
0x60: {  	[tilespmem:s4+$0x10] =	vst v7  }
0x61: {  	s12 =	simm.s32 $0x40;
	v7 =	vld.idx.msk [tilespmem:v1+s3+$0x0], $0xffff  }
0x62: {  	v63 =	vmov s12;
	v8 =	vld.idx.msk [tilespmem:v2+s3+$0x0], $0xffff  }
0x63: {  	v9 =	vshll.u32 v63, $0x4  }
0x64: {  	v9 =	vor.u32 v3, v9  }
0x65: {  	v9 =	vand.u32 $0x3C80, v9  }
0x66: {  	v7 =	vadd.s32 v9, v7  }
0x67: {  	v7 =	vsub.s32 v8, v7  }
0x68: {  	vm1 =	vgt.s32 v7, $0x0  }
0x69: {  	v7 =	vnsel vm1, $0x0, v7  }
0x6a: {  	v7 =	vmin.u32 v7, $0x80  }
0x6b: {  	(xrf0) =	vadd.scan.msk.s32 $0xffff, v7  }
0x6c: {  	s13 =	simm.s32 $0x4;
	s1 =	simm.s32 $0x0;
	s30 =	spop (v2sf)  }
.LBB2_2:
0x6d: {  	s13 =	sadd.s32 $0x4, s13;
	s14 =	sadd.s32 s14, s30;
	s4 =	sadd.s32 $0x40, s4  }
0x6e: {  	p0 =	slt.u32 s13, $0x3C;
	_ =	sdelay $0x2  }
0x6f: {  	v7 =	vsub.s32 s14, v7;
	v8, _, _ =	vpop (xrf0)  }
0x70: {  	v7 =	vadd.s32 v8, v7;
	(v2sf) =	vpush v8, $0xF  }
0x71: {  	[tilespmem:s4+$0xFFFFFFE0] =	vst v7  }
0x72: {  	v7 =	vld.idx.msk [tilespmem:v1+s1+$0x0], $0xffff  }
0x73: {  	s30 =	sadd.s32 $0x10, s12;
	v8 =	vld.idx.msk [tilespmem:v2+s1+$0x0], $0xffff  }
0x74: {  	v9 =	vmov s30  }
0x75: {  	v9 =	vshll.u32 v9, $0x4  }
0x76: {  	v9 =	vor.u32 v3, v9  }
0x77: {  	v9 =	vand.u32 $0x7FFFFF80, v9  }
0x78: {  	v7 =	vadd.s32 v9, v7  }
0x79: {  	v7 =	vsub.s32 v8, v7  }
0x7a: {  	vm1 =	vgt.s32 v7, $0x0  }
0x7b: {  	v7 =	vnsel vm1, $0x0, v7  }
0x7c: {  	v7 =	vmin.u32 v7, $0x80  }
0x7d: {  	(xrf0) =	vadd.scan.msk.s32 $0xffff, v7;
	_ =	sdelay $0x1  }
0x7e: {  	s30 =	spop (v2sf);
	_ =	sdelay $0x3  }
0x7f: {  	v8, _, _ =	vpop (xrf0)  }
0x80: {  	s14 =	sadd.s32 s14, s30;
	v7 =	vsub.s32 v8, v7;
	(v2sf) =	vpush v8, $0xF  }
0x81: {  	v7 =	vadd.s32 s14, v7  }
0x82: {  	[tilespmem:s4+$0xFFFFFFF0] =	vst v7  }
0x83: {  	v7 =	vld.idx.msk [tilespmem:v1+s1+$0x0], $0xffff  }
0x84: {  	s30 =	sadd.s32 $0x20, s12;
	v8 =	vld.idx.msk [tilespmem:v2+s1+$0x0], $0xffff  }
0x85: {  	v9 =	vmov s30  }
0x86: {  	v9 =	vshll.u32 v9, $0x4  }
0x87: {  	v9 =	vor.u32 v3, v9  }
0x88: {  	v9 =	vand.u32 $0x7FFFFF80, v9  }
0x89: {  	v7 =	vadd.s32 v9, v7  }
0x8a: {  	v7 =	vsub.s32 v8, v7  }
0x8b: {  	vm1 =	vgt.s32 v7, $0x0  }
0x8c: {  	v7 =	vnsel vm1, $0x0, v7  }
0x8d: {  	v7 =	vmin.u32 v7, $0x80  }
0x8e: {  	(xrf0) =	vadd.scan.msk.s32 $0xffff, v7  }
0x8f: {  	s30 =	spop (v2sf)  }
0x90: {  	s14 =	sadd.s32 s14, s30;
	_ =	sdelay $0x3  }
0x91: {  	v8, _, _ =	vpop (xrf0)  }
0x92: {  	v7 =	vsub.s32 v8, v7;
	(v2sf) =	vpush v8, $0xF  }
0x93: {  	v7 =	vadd.s32 s14, v7  }
0x94: {  	[tilespmem:s4+$0x0] =	vst v7  }
0x95: {  	v7 =	vld.idx.msk [tilespmem:v1+s1+$0x0], $0xffff  }
0x96: {  	s30 =	sadd.s32 $0x30, s12;
	v8 =	vld.idx.msk [tilespmem:v2+s1+$0x0], $0xffff  }
0x97: {  	v9 =	vmov s30  }
0x98: {  	v9 =	vshll.u32 v9, $0x4  }
0x99: {  	v9 =	vor.u32 v3, v9  }
0x9a: {  	v9 =	vand.u32 $0x7FFFFF80, v9  }
0x9b: {  	v7 =	vadd.s32 v9, v7  }
0x9c: {  	v7 =	vsub.s32 v8, v7  }
0x9d: {  	vm1 =	vgt.s32 v7, $0x0  }
0x9e: {  	v7 =	vnsel vm1, $0x0, v7  }
0x9f: {  	v7 =	vmin.u32 v7, $0x80  }
0xa0: {  	(xrf0) =	vadd.scan.msk.s32 $0xffff, v7  }
0xa1: {  	s1 =	spop (v2sf);
	_ =	sdelay $0x4  }
0xa2: {  	v8, _, _ =	vpop (xrf0)  }
0xa3: {  	s14 =	sadd.s32 s14, s1;
	v7 =	vsub.s32 v8, v7;
	(v2sf) =	vpush v8, $0xF  }
0xa4: {  	v7 =	vadd.s32 s14, v7  }
0xa5: {  	s1 =	simm.s32 $0x0;
	[tilespmem:s4+$0x10] =	vst v7  }
0xa6: {  	v7 =	vld.idx.msk [tilespmem:v1+s1+$0x0], $0xffff  }
0xa7: {  	s12 =	sadd.s32 $0x40, s12;
	v8 =	vld.idx.msk [tilespmem:v2+s1+$0x0], $0xffff  }
0xa8: {  	v9 =	vmov s12  }
0xa9: {  	v9 =	vshll.u32 v9, $0x4  }
0xaa: {  	v9 =	vor.u32 v3, v9  }
0xab: {  	v9 =	vand.u32 $0x3C80, v9  }
0xac: {  	v7 =	vadd.s32 v9, v7  }
0xad: {  	v7 =	vsub.s32 v8, v7  }
.Ltmp0:
0xae: {  	vm1 =	vgt.s32 v7, $0x0;
	(pc) =	sbr.rel @p0 .LBB2_2-.Ltmp0, $4  }
0xaf: {  	v7 =	vnsel vm1, $0x0, v7  }
0xb0: {  	v7 =	vmin.u32 v7, $0x80  }
0xb1: {  	(xrf0) =	vadd.scan.msk.s32 $0xffff, v7  }
0xb2: {  	s30 =	spop (v2sf)  }
0xb3: {  	_ =	sdelay $0x2  }
0xb4: {  	s13 =	sadd.s32 s14, s30  }
0xb5: {  	v7 =	vsub.s32 s13, v7;
	v8, _, _ =	vpop (xrf0)  }
0xb6: {  	s4 =	sadd.s32 $0x40, s4;
	v7 =	vadd.s32 v8, v7  }
0xb7: {  	[tilespmem:s4+$0xFFFFFFE0] =	vst v7  }
0xb8: {  	s30 =	sadd.s32 $0x10, s12;
	v7 =	vld.idx.msk [tilespmem:v1+s1+$0x0], $0xffff  }
0xb9: {  	v9 =	vmov s30;
	(v2sf) =	vpush v8, $0xF;
	v8 =	vld.idx.msk [tilespmem:v2+s1+$0x0], $0xffff  }
0xba: {  	v9 =	vshll.u32 v9, $0x4  }
0xbb: {  	v9 =	vor.u32 v3, v9  }
0xbc: {  	v9 =	vand.u32 $0x7FFFFF80, v9  }
0xbd: {  	v7 =	vadd.s32 v9, v7  }
0xbe: {  	v7 =	vsub.s32 v8, v7  }
0xbf: {  	vm1 =	vgt.s32 v7, $0x0  }
0xc0: {  	v7 =	vnsel vm1, $0x0, v7  }
0xc1: {  	v7 =	vmin.u32 v7, $0x80  }
0xc2: {  	(xrf0) =	vadd.scan.msk.s32 $0xffff, v7;
	_ =	sdelay $0x5  }
0xc3: {  	s30 =	spop (v2sf);
	v8, _, _ =	vpop (xrf0)  }
0xc4: {  	s13 =	sadd.s32 s13, s30;
	v7 =	vsub.s32 v8, v7  }
0xc5: {  	v7 =	vadd.s32 s13, v7  }
0xc6: {  	[tilespmem:s4+$0xFFFFFFF0] =	vst v7  }
0xc7: {  	s30 =	sadd.s32 $0x20, s12;
	v7 =	vld.idx.msk [tilespmem:v1+s1+$0x0], $0xffff  }
0xc8: {  	v62 =	vmov s30;
	(v2sf) =	vpush v8, $0xF;
	v8 =	vld.idx.msk [tilespmem:v2+s1+$0x0], $0xffff  }
0xc9: {  	v9 =	vshll.u32 v62, $0x4  }
0xca: {  	v9 =	vor.u32 v3, v9  }
0xcb: {  	v9 =	vand.u32 $0x7FFFFF80, v9  }
0xcc: {  	v7 =	vadd.s32 v9, v7  }
0xcd: {  	v7 =	vsub.s32 v8, v7  }
0xce: {  	vm1 =	vgt.s32 v7, $0x0  }
0xcf: {  	v7 =	vnsel vm1, $0x0, v7  }
0xd0: {  	v7 =	vmin.u32 v7, $0x80  }
0xd1: {  	(xrf0) =	vadd.scan.msk.s32 $0xffff, v7;
	_ =	sdelay $0x5  }
0xd2: {  	s30 =	spop (v2sf);
	v8, _, _ =	vpop (xrf0)  }
0xd3: {  	s13 =	sadd.s32 s13, s30;
	v7 =	vsub.s32 v8, v7  }
0xd4: {  	v7 =	vadd.s32 s13, v7  }
0xd5: {  	[tilespmem:s4+$0x0] =	vst v7  }
0xd6: {  	s30 =	sadd.s32 $0x30, s12;
	v7 =	vld.idx.msk [tilespmem:v1+s1+$0x0], $0xffff  }
0xd7: {  	v10 =	vmov s30;
	v63 =	vld.idx.msk [tilespmem:v2+s1+$0x0], $0xffff  }
0xd8: {  	v10 =	vshll.u32 v10, $0x4  }
0xd9: {  	v10 =	vor.u32 v3, v10  }
0xda: {  	v10 =	vand.u32 $0x7FFFFF80, v10  }
0xdb: {  	v7 =	vadd.s32 v10, v7  }
0xdc: {  	v7 =	vsub.s32 v63, v7  }
0xdd: {  	vm1 =	vgt.s32 v7, $0x0  }
0xde: {  	v7 =	vnsel vm1, $0x0, v7  }
0xdf: {  	v7 =	vmin.u32 v7, $0x80  }
0xe0: {  	(xrf0) =	vadd.scan.msk.s32 $0xffff, v7;
	_ =	sdelay $0x3  }
0xe1: {  	(v2sf) =	vpush v8, $0xF;
	_ =	sdelay $0x1  }
0xe2: {  	v8, _, _ =	vpop (xrf0)  }
0xe3: {  	(v2sf) =	vpush v8, $0xF;
	_ =	sdelay $0xb  }
0xe4: {  	s14 =	spop (v2sf)  }
0xe5: {  	s12 =	sadd.s32 s13, s14;
	v7 =	vsub.s32 v8, v7  }
0xe6: {  	v7 =	vadd.s32 s12, v7  }
0xe7: {  	[tilespmem:s4+$0x10] =	vst v7;
	s4 =	rddreg [dreg:$0x1b];
	s30 =	spop (v2sf)  }
.LBB2_4:
0xe8: {  	p0 =	seq.s32 s1, $0x0  }
0xe9: {  	s12 =	simm.s32 @!p0 $0x2  }
0xea: {  	_ =	swait.ge @!p0 [sflag:s12], $0x8000  }
0xeb: {  	[sflag:s12] =	ssyncset.done @!p0 $0x0  }
0xec: {  	[sflag:s12] =	ssyncadd.s32 @!p0 $0xFFFF8000  }
0xed: {  	v7 =	vld.idx.msk [tilespmem:v4+s15+$0x0], $0xffff;
	_ =	sdelay $0x2  }
0xee: {  	s13 =	sadd.s32 $0xFFFFFFF0, s4  }
0xef: {  	v8 =	vor.u32 s13, v0  }
0xf0: {  	vm1 =	vgt.s32 v7, v8  }
0xf1: {  	v7 =	vsel vm1, $0x0, v4  }
0xf2: {  	v9 =	vor.u32 $0x100, v7;
	_ =	sdelay $0x4  }
0xf3: {  	v10 =	vld.idx.msk [tilespmem:v9+s15+$0x0], $0xffff;
	_ =	sdelay $0x4  }
0xf4: {  	vm1 =	vgt.s32 v10, v8  }
0xf5: {  	v7 =	vsel vm1, v7, v9  }
0xf6: {  	v9 =	vor.u32 $0x80, v7;
	_ =	sdelay $0x4  }
0xf7: {  	v44 =	vld.idx.msk [tilespmem:v9+s15+$0x0], $0xffff;
	_ =	sdelay $0x4  }
0xf8: {  	vm1 =	vgt.s32 v44, v8  }
0xf9: {  	v7 =	vsel vm1, v7, v9  }
0xfa: {  	v9 =	vor.u32 $0x40, v7;
	_ =	sdelay $0x4  }
0xfb: {  	v45 =	vld.idx.msk [tilespmem:v9+s15+$0x0], $0xffff;
	_ =	sdelay $0x4  }
0xfc: {  	vm1 =	vgt.s32 v45, v8  }
0xfd: {  	v7 =	vsel vm1, v7, v9  }
0xfe: {  	v9 =	vadd.s32 $0x20, v7;
	_ =	sdelay $0x4  }
0xff: {  	v46 =	vld.idx.msk [tilespmem:v9+s15+$0x0], $0xffff;
	_ =	sdelay $0x4  }
0x100: {  	vm1 =	vgt.s32 v46, v8  }
0x101: {  	v7 =	vsel vm1, v7, v9  }
0x102: {  	v9 =	vadd.s32 $0x10, v7;
	_ =	sdelay $0x4  }
0x103: {  	v47 =	vld.idx.msk [tilespmem:v9+s15+$0x0], $0xffff;
	_ =	sdelay $0x4  }
0x104: {  	vm1 =	vgt.s32 v47, v8  }
0x105: {  	v7 =	vsel vm1, v7, v9  }
0x106: {  	v9 =	vadd.s32 $0x8, v7;
	_ =	sdelay $0x4  }
0x107: {  	v48 =	vld.idx.msk [tilespmem:v9+s15+$0x0], $0xffff;
	_ =	sdelay $0x4  }
0x108: {  	vm1 =	vgt.s32 v48, v8  }
0x109: {  	v7 =	vsel vm1, v7, v9  }
0x10a: {  	v9 =	vadd.s32 $0x4, v7;
	_ =	sdelay $0x4  }
0x10b: {  	v49 =	vld.idx.msk [tilespmem:v9+s15+$0x0], $0xffff;
	_ =	sdelay $0x4  }
0x10c: {  	vm1 =	vgt.s32 v49, v8  }
0x10d: {  	v7 =	vsel vm1, v7, v9  }
0x10e: {  	v9 =	vadd.s32 $0x2, v7;
	_ =	sdelay $0x4  }
0x10f: {  	v50 =	vld.idx.msk [tilespmem:v9+s15+$0x0], $0xffff;
	_ =	sdelay $0x4  }
0x110: {  	vm1 =	vgt.s32 v50, v8  }
0x111: {  	v7 =	vsel vm1, v7, v9  }
0x112: {  	v9 =	vadd.s32 $0x1, v7;
	_ =	sdelay $0x4  }
0x113: {  	v51 =	vld.idx.msk [tilespmem:v9+s15+$0x0], $0xffff;
	_ =	sdelay $0x4  }
0x114: {  	vm1 =	vgt.s32 v51, v8  }
0x115: {  	v7 =	vsel vm1, v7, v9  }
0x116: {  	v9 =	vand.u32 $0x7, v7;
	_ =	sdelay $0x3  }
0x117: {  	v52 =	vld.idx.msk [tilespmem:v7+s15+$0x0], $0xffff  }
0x118: {  	v9 =	vld.idx.msk [tilespmem:v9+s3+$0x0], $0xffff;
	_ =	sdelay $0x3  }
0x119: {  	v7 =	vshll.u32 v7, $0x4;
	v8 =	vsub.s32 v8, v52  }
0x11a: {  	v7 =	vand.u32 $0xFFFFF80, v7;
	v8 =	vadd.s32 v9, v8  }
0x11b: {  	v7 =	vadd.s32 v7, v8  }
0x11c: {  	v7 =	vshll.u32 v7, $0x4  }
0x11d: {  	v8 =	vand.u32 $0x7, v8;
	v7 =	vand.u32 $0xFFFFFF80, v7  }
0x11e: {  	v7 =	vor.u32 v8, v7  }
0x11f: {  	v8 =	vperm.xlane v7, v1;
	_ =	sdelay $0x1  }
0x120: {  	v8 =	vadd.s32 v5, v8;
	_ =	sdelay $0x4  }
0x121: {  	[tilespmem:s16], [sflag:$0x1] =	stream.indirect_vreg.gather [hbm4b:s2+s3], $0x80, v8, vm0, $0xb8;
	[tilespmem:$0x10480] =	vst v63  }
0x122: {  	s14 =	rddreg [dreg:$0x5]  }
0x123: {  	[tilespmem:s14], [sflag:$0x1] =	stream.indirect_vreg.gather [hbm4b:s5+s3], $0x80, v8, vm0, $0xb8;
	[tilespmem:$0x10480] =	vst v63  }
0x124: {  	s13 =	rddreg [dreg:$0x6]  }
0x125: {  	[tilespmem:s13], [sflag:$0x1] =	stream.indirect_vreg.gather [hbm4b:s6+s3], $0x80, v8, vm0, $0xb8;
	[tilespmem:$0x10480] =	vst v63  }
0x126: {  	s30 =	rddreg [dreg:$0x7]  }
0x127: {  	[tilespmem:s30], [sflag:$0x1] =	stream.indirect_vreg.gather [hbm4b:s7+s3], $0x80, v8, vm0, $0xb8;
	[tilespmem:$0x10480] =	vst v63  }
0x128: {  	s14 =	rddreg [dreg:$0x8]  }
0x129: {  	[tilespmem:s14], [sflag:$0x1] =	stream.indirect_vreg.gather [hbm4b:s8+s3], $0x80, v8, vm0, $0xb8;
	[tilespmem:$0x10480] =	vst v63  }
0x12a: {  	v7 =	vperm.xlane v7, v6;
	s30 =	rddreg [dreg:$0x9]  }
0x12b: {  	[tilespmem:s30], [sflag:$0x1] =	stream.indirect_vreg.gather [hbm4b:s9+s3], $0x80, v8, vm0, $0xb8;
	[tilespmem:$0x10480] =	vst v63  }
0x12c: {  	v7 =	vadd.s32 v5, v7;
	s14 =	rddreg [dreg:$0xa]  }
0x12d: {  	[tilespmem:s14], [sflag:$0x1] =	stream.indirect_vreg.gather [hbm4b:s10+s3], $0x80, v8, vm0, $0xb8;
	[tilespmem:$0x10480] =	vst v63  }
0x12e: {  	s30 =	rddreg [dreg:$0xb]  }
0x12f: {  	[tilespmem:s30], [sflag:$0x1] =	stream.indirect_vreg.gather [hbm4b:s11+s3], $0x80, v8, vm0, $0xb8;
	[tilespmem:$0x10480] =	vst v63  }
0x130: {  	s14 =	rddreg [dreg:$0xc]  }
0x131: {  	[tilespmem:s14], [sflag:$0x1] =	stream.indirect_vreg.gather [hbm4b:s2+s3], $0x80, v7, vm0, $0xb8;
	[tilespmem:$0x10480] =	vst v63  }
0x132: {  	s30 =	rddreg [dreg:$0xd]  }
0x133: {  	[tilespmem:s30], [sflag:$0x1] =	stream.indirect_vreg.gather [hbm4b:s5+s3], $0x80, v7, vm0, $0xb8;
	[tilespmem:$0x10480] =	vst v63  }
0x134: {  	s14 =	rddreg [dreg:$0xe]  }
0x135: {  	[tilespmem:s14], [sflag:$0x1] =	stream.indirect_vreg.gather [hbm4b:s6+s3], $0x80, v7, vm0, $0xb8;
	[tilespmem:$0x10480] =	vst v63  }
0x136: {  	s30 =	rddreg [dreg:$0xf]  }
0x137: {  	[tilespmem:s30], [sflag:$0x1] =	stream.indirect_vreg.gather [hbm4b:s7+s3], $0x80, v7, vm0, $0xb8;
	[tilespmem:$0x10480] =	vst v63  }
0x138: {  	s14 =	rddreg [dreg:$0x10]  }
0x139: {  	[tilespmem:s14], [sflag:$0x1] =	stream.indirect_vreg.gather [hbm4b:s8+s3], $0x80, v7, vm0, $0xb8;
	[tilespmem:$0x10480] =	vst v63  }
0x13a: {  	s30 =	rddreg [dreg:$0x11]  }
0x13b: {  	[tilespmem:s30], [sflag:$0x1] =	stream.indirect_vreg.gather [hbm4b:s9+s3], $0x80, v7, vm0, $0xb8;
	[tilespmem:$0x10480] =	vst v63  }
0x13c: {  	s14 =	rddreg [dreg:$0x12]  }
0x13d: {  	[tilespmem:s14], [sflag:$0x1] =	stream.indirect_vreg.gather [hbm4b:s10+s3], $0x80, v7, vm0, $0xb8;
	[tilespmem:$0x10480] =	vst v63  }
0x13e: {  	s30 =	rddreg [dreg:$0x13]  }
0x13f: {  	[tilespmem:s30], [sflag:$0x1] =	stream.indirect_vreg.gather [hbm4b:s11+s3], $0x80, v7, vm0, $0xb8;
	[tilespmem:$0x10480] =	vst v63  }
0x140: {  	_ =	swait.ge [sflag:s17], $0x8000  }
0x141: {  	s14 =	rddreg [dreg:$0x4];
	[sflag:s17] =	ssyncset.done $0x0  }
0x142: {  	s13 =	simm.s32 @!p0 $0x3;
	[sflag:s17] =	ssyncadd.s32 $0xFFFF8000;
	s12 =	sadd.s32 s1, s14  }
0x143: {  	[hbm4b:s12+s3] =	stream.linear.scatter [tilespmem:s16], [sflag:$0x2], $0x8000, $0x38;
	[tilespmem:$0x10480] =	vst v63  }
0x144: {  	_ =	swait.ge @!p0 [sflag:s13], $0x8000  }
0x145: {  	[sflag:s13] =	ssyncset.done @!p0 $0x0  }
0x146: {  	[sflag:s13] =	ssyncadd.s32 @!p0 $0xFFFF8000  }
0x147: {  	v7 =	vld.idx.msk [tilespmem:v4+s15+$0x0], $0xffff;
	_ =	sdelay $0x3  }
0x148: {  	v8 =	vor.u32 s4, v0  }
0x149: {  	vm1 =	vgt.s32 v7, v8  }
0x14a: {  	v7 =	vsel vm1, $0x0, v4  }
0x14b: {  	v53 =	vor.u32 $0x100, v7;
	_ =	sdelay $0x4  }
0x14c: {  	v54 =	vld.idx.msk [tilespmem:v53+s15+$0x0], $0xffff;
	_ =	sdelay $0x4  }
0x14d: {  	vm1 =	vgt.s32 v54, v8  }
0x14e: {  	v7 =	vsel vm1, v7, v53  }
0x14f: {  	v9 =	vor.u32 $0x80, v7;
	_ =	sdelay $0x4  }
0x150: {  	v55 =	vld.idx.msk [tilespmem:v9+s15+$0x0], $0xffff;
	_ =	sdelay $0x4  }
0x151: {  	vm1 =	vgt.s32 v55, v8  }
0x152: {  	v7 =	vsel vm1, v7, v9  }
0x153: {  	v9 =	vor.u32 $0x40, v7;
	_ =	sdelay $0x4  }
0x154: {  	v56 =	vld.idx.msk [tilespmem:v9+s15+$0x0], $0xffff;
	_ =	sdelay $0x4  }
0x155: {  	vm1 =	vgt.s32 v56, v8  }
0x156: {  	v7 =	vsel vm1, v7, v9  }
0x157: {  	v9 =	vadd.s32 $0x20, v7;
	_ =	sdelay $0x4  }
0x158: {  	v57 =	vld.idx.msk [tilespmem:v9+s15+$0x0], $0xffff;
	_ =	sdelay $0x4  }
0x159: {  	vm1 =	vgt.s32 v57, v8  }
0x15a: {  	v7 =	vsel vm1, v7, v9  }
0x15b: {  	v9 =	vadd.s32 $0x10, v7;
	_ =	sdelay $0x4  }
0x15c: {  	v58 =	vld.idx.msk [tilespmem:v9+s15+$0x0], $0xffff;
	_ =	sdelay $0x4  }
0x15d: {  	vm1 =	vgt.s32 v58, v8  }
0x15e: {  	v7 =	vsel vm1, v7, v9  }
0x15f: {  	v9 =	vadd.s32 $0x8, v7;
	_ =	sdelay $0x4  }
0x160: {  	v59 =	vld.idx.msk [tilespmem:v9+s15+$0x0], $0xffff;
	_ =	sdelay $0x4  }
0x161: {  	vm1 =	vgt.s32 v59, v8  }
0x162: {  	v7 =	vsel vm1, v7, v9  }
0x163: {  	v9 =	vadd.s32 $0x4, v7;
	_ =	sdelay $0x4  }
0x164: {  	v60 =	vld.idx.msk [tilespmem:v9+s15+$0x0], $0xffff;
	_ =	sdelay $0x4  }
0x165: {  	vm1 =	vgt.s32 v60, v8  }
0x166: {  	v7 =	vsel vm1, v7, v9  }
0x167: {  	v9 =	vadd.s32 $0x2, v7;
	_ =	sdelay $0x4  }
0x168: {  	v61 =	vld.idx.msk [tilespmem:v9+s15+$0x0], $0xffff;
	_ =	sdelay $0x4  }
0x169: {  	vm1 =	vgt.s32 v61, v8  }
0x16a: {  	v7 =	vsel vm1, v7, v9  }
0x16b: {  	v9 =	vadd.s32 $0x1, v7;
	_ =	sdelay $0x4  }
0x16c: {  	v62 =	vld.idx.msk [tilespmem:v9+s15+$0x0], $0xffff;
	_ =	sdelay $0x4  }
0x16d: {  	vm1 =	vgt.s32 v62, v8  }
0x16e: {  	v7 =	vsel vm1, v7, v9  }
0x16f: {  	v9 =	vand.u32 $0x7, v7;
	_ =	sdelay $0x3  }
0x170: {  	v63 =	vld.idx.msk [tilespmem:v7+s15+$0x0], $0xffff  }
0x171: {  	v9 =	vld.idx.msk [tilespmem:v9+s3+$0x0], $0xffff;
	_ =	sdelay $0x3  }
0x172: {  	v7 =	vshll.u32 v7, $0x4;
	v8 =	vsub.s32 v8, v63  }
0x173: {  	v7 =	vand.u32 $0xFFFFF80, v7;
	v8 =	vadd.s32 v9, v8  }
0x174: {  	v7 =	vadd.s32 v7, v8  }
0x175: {  	v7 =	vshll.u32 v7, $0x4  }
0x176: {  	v8 =	vand.u32 $0x7, v8;
	v7 =	vand.u32 $0xFFFFFF80, v7  }
0x177: {  	v7 =	vor.u32 v8, v7  }
0x178: {  	v8 =	vperm.xlane v7, v1;
	_ =	sdelay $0x1  }
0x179: {  	v8 =	vadd.s32 v5, v8;
	_ =	sdelay $0x4  }
0x17a: {  	[tilespmem:s18], [sflag:$0x1] =	stream.indirect_vreg.gather [hbm4b:s2+s3], $0x80, v8, vm0, $0xb8;
	[tilespmem:$0x10480] =	vst v63  }
0x17b: {  	s30 =	rddreg [dreg:$0x14]  }
0x17c: {  	[tilespmem:s30], [sflag:$0x1] =	stream.indirect_vreg.gather [hbm4b:s5+s3], $0x80, v8, vm0, $0xb8;
	[tilespmem:$0x10480] =	vst v63  }
0x17d: {  	s14 =	rddreg [dreg:$0x15]  }
0x17e: {  	[tilespmem:s14], [sflag:$0x1] =	stream.indirect_vreg.gather [hbm4b:s6+s3], $0x80, v8, vm0, $0xb8;
	[tilespmem:$0x10480] =	vst v63  }
0x17f: {  	s30 =	rddreg [dreg:$0x16]  }
0x180: {  	[tilespmem:s30], [sflag:$0x1] =	stream.indirect_vreg.gather [hbm4b:s7+s3], $0x80, v8, vm0, $0xb8;
	[tilespmem:$0x10480] =	vst v63  }
0x181: {  	s14 =	rddreg [dreg:$0x17]  }
0x182: {  	[tilespmem:s14], [sflag:$0x1] =	stream.indirect_vreg.gather [hbm4b:s8+s3], $0x80, v8, vm0, $0xb8;
	[tilespmem:$0x10480] =	vst v63  }
0x183: {  	v7 =	vperm.xlane v7, v6;
	s30 =	rddreg [dreg:$0x18]  }
0x184: {  	[tilespmem:s30], [sflag:$0x1] =	stream.indirect_vreg.gather [hbm4b:s9+s3], $0x80, v8, vm0, $0xb8;
	[tilespmem:$0x10480] =	vst v63  }
0x185: {  	v7 =	vadd.s32 v5, v7  }
0x186: {  	[tilespmem:s19], [sflag:$0x1] =	stream.indirect_vreg.gather [hbm4b:s10+s3], $0x80, v8, vm0, $0xb8;
	[tilespmem:$0x10480] =	vst v63  }
0x187: {  	_ = 	snop  }
0x188: {  	[tilespmem:s20], [sflag:$0x1] =	stream.indirect_vreg.gather [hbm4b:s11+s3], $0x80, v8, vm0, $0xb8;
	[tilespmem:$0x10480] =	vst v63  }
0x189: {  	_ = 	snop  }
0x18a: {  	[tilespmem:s21], [sflag:$0x1] =	stream.indirect_vreg.gather [hbm4b:s2+s3], $0x80, v7, vm0, $0xb8;
	[tilespmem:$0x10480] =	vst v63  }
0x18b: {  	_ = 	snop  }
0x18c: {  	[tilespmem:s22], [sflag:$0x1] =	stream.indirect_vreg.gather [hbm4b:s5+s3], $0x80, v7, vm0, $0xb8;
	[tilespmem:$0x10480] =	vst v63  }
0x18d: {  	_ = 	snop  }
0x18e: {  	[tilespmem:s23], [sflag:$0x1] =	stream.indirect_vreg.gather [hbm4b:s6+s3], $0x80, v7, vm0, $0xb8;
	[tilespmem:$0x10480] =	vst v63  }
0x18f: {  	_ = 	snop  }
0x190: {  	[tilespmem:s24], [sflag:$0x1] =	stream.indirect_vreg.gather [hbm4b:s7+s3], $0x80, v7, vm0, $0xb8;
	[tilespmem:$0x10480] =	vst v63  }
0x191: {  	_ = 	snop  }
0x192: {  	[tilespmem:s25], [sflag:$0x1] =	stream.indirect_vreg.gather [hbm4b:s8+s3], $0x80, v7, vm0, $0xb8;
	[tilespmem:$0x10480] =	vst v63  }
0x193: {  	_ = 	snop  }
0x194: {  	[tilespmem:s26], [sflag:$0x1] =	stream.indirect_vreg.gather [hbm4b:s9+s3], $0x80, v7, vm0, $0xb8;
	[tilespmem:$0x10480] =	vst v63  }
0x195: {  	s1 =	sadd.s32 $0x2000, s1  }
0x196: {  	[tilespmem:s28], [sflag:$0x1] =	stream.indirect_vreg.gather [hbm4b:s10+s3], $0x80, v7, vm0, $0xb8;
	[tilespmem:$0x10480] =	vst v63  }
0x197: {  	p0 =	sne.s32 s1, $0x20000  }
0x198: {  	[tilespmem:s29], [sflag:$0x1] =	stream.indirect_vreg.gather [hbm4b:s11+s3], $0x80, v7, vm0, $0xb8;
	[tilespmem:$0x10480] =	vst v63  }
.Ltmp1:
0x199: {  	_ = 	snop;
	(pc) =	sbr.rel @p0 .LBB2_4-.Ltmp1, $4  }
0x19a: {  	_ =	swait.ge [sflag:s17], $0x8000  }
0x19b: {  	[sflag:s17] =	ssyncset.done $0x0  }
0x19c: {  	s4 =	sadd.s32 $0x20, s4;
	s12 =	sadd.s32 $0x1000, s12;
	[sflag:s17] =	ssyncadd.s32 $0xFFFF8000  }
0x19d: {  	[hbm4b:s12+s3] =	stream.linear.scatter [tilespmem:s18], [sflag:$0x3], $0x8000, $0x38;
	[tilespmem:$0x10480] =	vst v63  }
0x19e: {  	s1 =	simm.s32 $0x2  }
0x19f: {  	_ =	swait.ge [sflag:s1], $0x8000  }
0x1a0: {  	[sflag:s1] =	ssyncset.done $0x0  }
0x1a1: {  	[sflag:s1] =	ssyncadd.s32 $0xFFFF8000  }
0x1a2: {  	_ =	swait.ge [sflag:s31], $0x8000  }
0x1a3: {  	s0 =	sadd.s32 $0x1, s0;
	s30 =	rddreg [dreg:$0x1a]  }
0x1a4: {  	p0 =	sne.s32 s0, s30  }
.Ltmp2:
0x1a5: {  	_ = 	snop;
	(pc) =	sbr.rel @p0 .LBB2_1-.Ltmp2, $3  }
0x1a6: {  	_ =	sdelay $0x1  }
0x1a7: {  	[sflag:s31] =	ssyncset.done $0x0  }
0x1a8: {  	[sflag:s31] =	ssyncadd.s32 $0xFFFF8000  }
0x1a9: {  	_ =	sfence.sel $0x180000  }
0x1aa: {  	[bflag:$0x0] =	sbarrier.arrive $0xFFFF  }
0x1ab: {  	_ =	strace $0x90000047  }
0x1ac: {  	s0 =	stileid.u32;
	[bflag:$0x2] =	sbarrier.arrive $0xFFFF  }
0x1ad: {  	p0 =	sne.s32 s0, $0x0;
	s0 =	rddreg [dreg:$0x3]  }
0x1ae: {  	s0 =	sadd.s32 @!p0 $0x100000, s0  }
0x1af: {  	[sflag:s0] =	ssyncadd.tile.s32 @!p0 $0x1;
	_ =	shalt  }
.Lfunc_end2:
_tile_overlayer_lowered:
.L_overlay_start_2:
0x1b0: {  	(tag) =	ssettag $0x2  }
0x1b1: {  	s0 =	rddreg [dreg:$0x0];
	s2 =	stileid.u32  }
0x1b2: {  	s1 =	rddreg [dreg:$0x1];
	p0 =	sne.s32 s2, $0x0  }
0x1b3: {  	s3 =	rddreg [dreg:$0x2];
	[bflag:$0x3] =	sbarrier.arrive $0xFFFF;
	s2 =	simm.s32 @!p0 $0x1C04  }
0x1b4: {  	[timem:s3], [sflag:s2] =	dma.local @!p0 [hbm:s0], s1  }
0x1b5: {  	s0 =	simm.s32 @!p0 $0x4  }
0x1b6: {  	_ =	swait.ge @!p0 [sflag:s0], s1  }
0x1b7: {  	s1 =	ssub.s32 @!p0 $0x0, s1;
	[sflag:s0] =	ssyncset.done @!p0 $0x0  }
0x1b8: {  	[sflag:s0] =	ssyncadd.s32 @!p0 s1  }
0x1b9: {  	[bflag:$0x3] =	sbarrier.arrive $0xFFFF  }
0x1ba: {  	_ =	shalt  }

</sc_bundles>
